<compile_context>
chip_gen: v7x
topology: tpu7x:2x2x1
jax: 0.10.2.dev20260603
libtpu: 0.0.44.dev20260713+nightly
codegen_flags: <defaults>
</compile_context>

<pallas_src>
import functools

import jax
import jax.numpy as jnp
from jax import lax
from jax.experimental import pallas as pl
from jax.experimental.pallas import tpu as pltpu
from jax.experimental.pallas import tpu_sc as plsc

NUM_RELATIONS = 1000
FUSE_DIM = 64
BATCH = 16384

_NC = 2
_NS = 16
_NW = _NC * _NS
_CHUNK = BATCH // _NW
_SUB = 128
_NSUB = _CHUNK // _SUB
_GROUPS = _SUB // 16


def _sc_kernel(ht_hbm, idx_hbm, tt_hbm, rel_hbm, out_hbm,
               idx_v0, h_v0, t_v0, r_v0, sh0, st0, sr0,
               idx_v1, h_v1, t_v1, r_v1, sh1, st1, sr1,
               out_v, rel_sh):
    bufs = ((idx_v0, h_v0, t_v0, r_v0, sh0, st0, sr0),
            (idx_v1, h_v1, t_v1, r_v1, sh1, st1, sr1))
    wid = lax.axis_index("s") * _NC + lax.axis_index("c")
    base = wid * _CHUNK

    iota = lax.iota(jnp.int32, 16)

    @pl.when(lax.axis_index("s") == 0)
    def _():
        pltpu.sync_copy(rel_hbm, rel_sh)

    plsc.subcore_barrier()

    def start(sub):
        idx_v, h_v, t_v, r_v, sh, st, sr = bufs[sub % 2]
        sbase = pl.multiple_of(base + sub * _SUB, _SUB)
        pltpu.sync_copy(idx_hbm.at[pl.ds(sbase, _SUB)], idx_v)
        return (pltpu.async_copy(rel_sh.at[idx_v], r_v, sr),
                pltpu.async_copy(ht_hbm.at[:, pl.ds(sbase, _SUB)], h_v, sh),
                pltpu.async_copy(tt_hbm.at[:, pl.ds(sbase, _SUB)], t_v, st))

    def compute(sub):
        _, h_v, t_v, r_v, *_ = bufs[sub % 2]

        def group_body(g, carry):
            rows = iota + g * 16

            def d_body(dd, acc):
                cols = lax.bitwise_and(iota + dd, FUSE_DIM - 1)
                hv = plsc.load_gather(h_v, [cols, rows])
                tv = plsc.load_gather(t_v, [cols, rows])
                rv = plsc.load_gather(r_v, [rows, cols])
                return acc + hv * rv * tv

            acc = lax.fori_loop(0, FUSE_DIM, d_body,
                                jnp.zeros((16,), jnp.float32), unroll=8)
            out_v[pl.ds(sub * _SUB + g * 16, 16)] = acc
            return carry

        lax.fori_loop(0, _GROUPS, group_body, 0)

    cps = start(0)
    for sub in range(_NSUB):
        for cp in cps:
            cp.wait()
        if sub + 1 < _NSUB:
            cps = start(sub + 1)
        compute(sub)

    pltpu.sync_copy(out_v, out_hbm.at[pl.ds(base, _CHUNK)])


@jax.jit
def kernel(h_emb, r_idx, t_emb, rel_emb):
    ht = h_emb.T
    tt = t_emb.T
    relp = jnp.pad(rel_emb, ((0, 0), (0, 128 - FUSE_DIM)))
    mesh = plsc.VectorSubcoreMesh(core_axis_name="c", subcore_axis_name="s")
    buf = [
        pltpu.VMEM((_SUB,), jnp.int32),
        pltpu.VMEM((FUSE_DIM, _SUB), jnp.float32),
        pltpu.VMEM((FUSE_DIM, _SUB), jnp.float32),
        pltpu.VMEM((_SUB, 128), jnp.float32),
        pltpu.SemaphoreType.DMA,
        pltpu.SemaphoreType.DMA,
        pltpu.SemaphoreType.DMA,
    ]
    run = functools.partial(
        pl.kernel,
        mesh=mesh,
        compiler_params=pltpu.CompilerParams(needs_layout_passes=False),
        out_type=jax.ShapeDtypeStruct((BATCH,), jnp.float32),
        scratch_types=buf + buf + [
            pltpu.VMEM((_CHUNK,), jnp.float32),
            pltpu.VMEM_SHARED((NUM_RELATIONS, 128), jnp.float32),
        ],
    )(_sc_kernel)
    return run(ht, r_idx.astype(jnp.int32), tt, relp)

# --- scband reference (transcript-rebuilt; emitter-appended) ---
"""Pipeline reference for scband-dist-mult-decoder-30348238913567 (READ-ONLY COPY).

The authoritative reference and input builder live on the scoring server;
editing this copy changes nothing except your own understanding.
"""

import jax, jax.numpy as jnp
import numpy as np

NUM_RELATIONS = 1000
FUSE_DIM = 64
BATCH = 16384

def setup_inputs(seed: int = 0) -> dict:
    key = jax.random.key(seed)
    k1, k2, k3, k4 = jax.random.split(key, 4)
    h_emb = jax.random.normal(k1, (BATCH, FUSE_DIM), dtype=jnp.float32)
    t_emb = jax.random.normal(k2, (BATCH, FUSE_DIM), dtype=jnp.float32)
    r_idx = jax.random.randint(k3, (BATCH,), 0, NUM_RELATIONS, dtype=jnp.int64)
    # xavier_uniform init for relation embedding table [num_relations, fuse_dim]
    limit = float(np.sqrt(6.0 / (NUM_RELATIONS + FUSE_DIM)))
    rel_emb = jax.random.uniform(k4, (NUM_RELATIONS, FUSE_DIM), dtype=jnp.float32, minval=-limit, maxval=limit)
    return {"h_emb": h_emb, "r_idx": r_idx, "t_emb": t_emb, "rel_emb": rel_emb}

def reference(h_emb, r_idx, t_emb, rel_emb):
    # DistMult scoring: score = sum(h * r * t, dim=1)
    r = jnp.take(rel_emb, r_idx, axis=0)  # embedding lookup [B, fuse_dim]
    score = jnp.sum(h_emb * r * t_emb, axis=1)  # [B]
    return score

if __name__ == "__main__":
    import jax
    _d = setup_inputs()
    print(jax.jit(kernel)(*tuple(_d.values())))

</pallas_src>

<mosaic_0001>
#map = affine_map<(d0, d1) -> (0, 0)>
#map1 = affine_map<(d0, d1) -> (0)>
module attributes {stable_mosaic.version = 14 : i64} {
  func.func @_sc_kernel(%arg0: i32, %arg1: i32, %arg2: memref<64x16384xf32, #tpu.memory_space<hbm>>, %arg3: memref<16384xi32, #tpu.memory_space<hbm>>, %arg4: memref<64x16384xf32, #tpu.memory_space<hbm>>, %arg5: memref<1000x128xf32, #tpu.memory_space<hbm>>, %arg6: memref<16384xf32, #tpu.memory_space<hbm>>, %arg7: memref<128xi32, #tpu.memory_space<vmem>>, %arg8: memref<64x128xf32, #tpu.memory_space<vmem>>, %arg9: memref<64x128xf32, #tpu.memory_space<vmem>>, %arg10: memref<128x128xf32, #tpu.memory_space<vmem>>, %arg11: memref<!tpu.dma_semaphore, #tpu.memory_space<semaphore_mem>>, %arg12: memref<!tpu.dma_semaphore, #tpu.memory_space<semaphore_mem>>, %arg13: memref<!tpu.dma_semaphore, #tpu.memory_space<semaphore_mem>>, %arg14: memref<128xi32, #tpu.memory_space<vmem>>, %arg15: memref<64x128xf32, #tpu.memory_space<vmem>>, %arg16: memref<64x128xf32, #tpu.memory_space<vmem>>, %arg17: memref<128x128xf32, #tpu.memory_space<vmem>>, %arg18: memref<!tpu.dma_semaphore, #tpu.memory_space<semaphore_mem>>, %arg19: memref<!tpu.dma_semaphore, #tpu.memory_space<semaphore_mem>>, %arg20: memref<!tpu.dma_semaphore, #tpu.memory_space<semaphore_mem>>, %arg21: memref<512xf32, #tpu.memory_space<vmem>>, %arg22: memref<1000x128xf32, #tpu.memory_space<vmem_shared>>) attributes {dimension_semantics = [#tpu.dimension_semantics<core_parallel>, #tpu.dimension_semantics<subcore_parallel>], iteration_bounds = array<i64: 2, 16>, scalar_prefetch = 0 : i64, scratch_operands = 16 : i64, tpu.core_type = #tpu.core_type<sc_vector_subcore>, window_params = [{transform_indices = #map}, {transform_indices = #map1}, {transform_indices = #map}, {transform_indices = #map}, {transform_indices = #map1}]} {
    %mul3A = arith.constant 2 : i32
    %mul3A_0 = arith.muli %arg1, %mul3A : i32
    %add3A = arith.addi %mul3A_0, %arg0 : i32
    %mul3A_1 = arith.constant 512 : i32
    %mul3A_2 = arith.muli %add3A, %mul3A_1 : i32
    %iota3A = tpu.iota {dimensions = array<i32: 0>} : vector<16xi32>
    %eq3A = arith.constant 0 : i32
    %eq3A_3 = arith.cmpi eq, %arg1, %eq3A : i32
    %convert_element_type3A = arith.extui %eq3A_3 : i1 to i32
    %cond3A = arith.constant 0 : i32
    %cond3A_4 = arith.cmpi ne, %convert_element_type3A, %cond3A : i32
    scf.if %cond3A_4 {
      "tpu.region"() ({
        %run_scoped3A = tpu.sem_alloc : memref<!tpu.dma_semaphore, #tpu.memory_space<semaphore_mem>>
        tpu.enqueue_dma source(%arg5 : memref<1000x128xf32, #tpu.memory_space<hbm>>) target(%arg22 : memref<1000x128xf32, #tpu.memory_space<vmem_shared>>) target_semaphore(%run_scoped3A : memref<!tpu.dma_semaphore, #tpu.memory_space<semaphore_mem>>)
        tpu.wait_dma2 semaphore(%run_scoped3A : memref<!tpu.dma_semaphore, #tpu.memory_space<semaphore_mem>>) src(%arg5 : memref<1000x128xf32, #tpu.memory_space<hbm>>) dst(%arg22 : memref<1000x128xf32, #tpu.memory_space<vmem_shared>>)
        tpu.yield
      }) : () -> ()
    } else {
    }
    %barrier3A = arith.constant 0 : index
    tpu.barrier barrier_id(%barrier3A)
    %add3A_5 = arith.constant 0 : i32
    %add3A_6 = arith.addi %mul3A_2, %add3A_5 : i32
    %multiple_of3A = tpu.assume_multiple %add3A_6, 128 : i32
    "tpu.region"() ({
      %run_scoped3A = tpu.sem_alloc : memref<!tpu.dma_semaphore, #tpu.memory_space<semaphore_mem>>
      %dma_start3A_125 = tpu.memref_slice %arg3[%multiple_of3A] : memref<16384xi32, #tpu.memory_space<hbm>> -> memref<128xi32, #tpu.memory_space<hbm>>
      %dma_start3A_126 = tpu.memref_slice %arg3[%multiple_of3A] : memref<16384xi32, #tpu.memory_space<hbm>> -> memref<128xi32, #tpu.memory_space<hbm>>
      tpu.enqueue_dma source(%dma_start3A_126 : memref<128xi32, #tpu.memory_space<hbm>>) target(%arg7 : memref<128xi32, #tpu.memory_space<vmem>>) target_semaphore(%run_scoped3A : memref<!tpu.dma_semaphore, #tpu.memory_space<semaphore_mem>>)
      %dma_wait3A_127 = tpu.memref_slice %arg3[%multiple_of3A] : memref<16384xi32, #tpu.memory_space<hbm>> -> memref<128xi32, #tpu.memory_space<hbm>>
      %dma_wait3A_128 = tpu.memref_slice %arg3[%multiple_of3A] : memref<16384xi32, #tpu.memory_space<hbm>> -> memref<128xi32, #tpu.memory_space<hbm>>
      tpu.wait_dma2 semaphore(%run_scoped3A : memref<!tpu.dma_semaphore, #tpu.memory_space<semaphore_mem>>) src(%dma_wait3A_128 : memref<128xi32, #tpu.memory_space<hbm>>) dst(%arg7 : memref<128xi32, #tpu.memory_space<vmem>>)
      tpu.yield
    }) : () -> ()
    %dma_start3A = arith.constant 0 : i32
    %dma_start3A_7 = arith.constant 0 : i32
    %dma_start3A_8 = tpu.memref_slice %arg22[%dma_start3A, %dma_start3A_7] : memref<1000x128xf32, #tpu.memory_space<vmem_shared>> -> memref<1000x128xf32, #tpu.memory_space<vmem_shared>>
    tpu.enqueue_indirect_dma source(%dma_start3A_8 : memref<1000x128xf32, #tpu.memory_space<vmem_shared>>) target(%arg10 : memref<128x128xf32, #tpu.memory_space<vmem>>) offsets(%arg7 : memref<128xi32, #tpu.memory_space<vmem>>) semaphore(%arg13 : memref<!tpu.dma_semaphore, #tpu.memory_space<semaphore_mem>>)
    %dma_start3A_9 = arith.constant 0 : i32
    %dma_start3A_10 = tpu.memref_slice %arg2[%dma_start3A_9, %multiple_of3A] : memref<64x16384xf32, #tpu.memory_space<hbm>> -> memref<64x128xf32, #tpu.memory_space<hbm>>
    %dma_start3A_11 = arith.constant 0 : i32
    %dma_start3A_12 = tpu.memref_slice %arg2[%dma_start3A_11, %multiple_of3A] : memref<64x16384xf32, #tpu.memory_space<hbm>> -> memref<64x128xf32, #tpu.memory_space<hbm>>
    tpu.enqueue_dma source(%dma_start3A_12 : memref<64x128xf32, #tpu.memory_space<hbm>>) target(%arg8 : memref<64x128xf32, #tpu.memory_space<vmem>>) target_semaphore(%arg11 : memref<!tpu.dma_semaphore, #tpu.memory_space<semaphore_mem>>)
    %dma_start3A_13 = arith.constant 0 : i32
    %dma_start3A_14 = tpu.memref_slice %arg4[%dma_start3A_13, %multiple_of3A] : memref<64x16384xf32, #tpu.memory_space<hbm>> -> memref<64x128xf32, #tpu.memory_space<hbm>>
    %dma_start3A_15 = arith.constant 0 : i32
    %dma_start3A_16 = tpu.memref_slice %arg4[%dma_start3A_15, %multiple_of3A] : memref<64x16384xf32, #tpu.memory_space<hbm>> -> memref<64x128xf32, #tpu.memory_space<hbm>>
    tpu.enqueue_dma source(%dma_start3A_16 : memref<64x128xf32, #tpu.memory_space<hbm>>) target(%arg9 : memref<64x128xf32, #tpu.memory_space<vmem>>) target_semaphore(%arg12 : memref<!tpu.dma_semaphore, #tpu.memory_space<semaphore_mem>>)
    %dma_wait3A = arith.constant 0 : i32
    %dma_wait3A_17 = arith.constant 0 : i32
    %dma_wait3A_18 = tpu.memref_slice %arg22[%dma_wait3A, %dma_wait3A_17] : memref<1000x128xf32, #tpu.memory_space<vmem_shared>> -> memref<1000x128xf32, #tpu.memory_space<vmem_shared>>
    tpu.wait_indirect_dma semaphore(%arg13 : memref<!tpu.dma_semaphore, #tpu.memory_space<semaphore_mem>>) src(%dma_wait3A_18 : memref<1000x128xf32, #tpu.memory_space<vmem_shared>>) dst(%arg10 : memref<128x128xf32, #tpu.memory_space<vmem>>)
    %dma_wait3A_19 = arith.constant 0 : i32
    %dma_wait3A_20 = tpu.memref_slice %arg2[%dma_wait3A_19, %multiple_of3A] : memref<64x16384xf32, #tpu.memory_space<hbm>> -> memref<64x128xf32, #tpu.memory_space<hbm>>
    %dma_wait3A_21 = arith.constant 0 : i32
    %dma_wait3A_22 = tpu.memref_slice %arg2[%dma_wait3A_21, %multiple_of3A] : memref<64x16384xf32, #tpu.memory_space<hbm>> -> memref<64x128xf32, #tpu.memory_space<hbm>>
    tpu.wait_dma2 semaphore(%arg11 : memref<!tpu.dma_semaphore, #tpu.memory_space<semaphore_mem>>) src(%dma_wait3A_22 : memref<64x128xf32, #tpu.memory_space<hbm>>) dst(%arg8 : memref<64x128xf32, #tpu.memory_space<vmem>>)
    %dma_wait3A_23 = arith.constant 0 : i32
    %dma_wait3A_24 = tpu.memref_slice %arg4[%dma_wait3A_23, %multiple_of3A] : memref<64x16384xf32, #tpu.memory_space<hbm>> -> memref<64x128xf32, #tpu.memory_space<hbm>>
    %dma_wait3A_25 = arith.constant 0 : i32
    %dma_wait3A_26 = tpu.memref_slice %arg4[%dma_wait3A_25, %multiple_of3A] : memref<64x16384xf32, #tpu.memory_space<hbm>> -> memref<64x128xf32, #tpu.memory_space<hbm>>
    tpu.wait_dma2 semaphore(%arg12 : memref<!tpu.dma_semaphore, #tpu.memory_space<semaphore_mem>>) src(%dma_wait3A_26 : memref<64x128xf32, #tpu.memory_space<hbm>>) dst(%arg9 : memref<64x128xf32, #tpu.memory_space<vmem>>)
    %add3A_27 = arith.constant 128 : i32
    %add3A_28 = arith.addi %mul3A_2, %add3A_27 : i32
    %multiple_of3A_29 = tpu.assume_multiple %add3A_28, 128 : i32
    "tpu.region"() ({
      %run_scoped3A = tpu.sem_alloc : memref<!tpu.dma_semaphore, #tpu.memory_space<semaphore_mem>>
      %dma_start3A_125 = tpu.memref_slice %arg3[%multiple_of3A_29] : memref<16384xi32, #tpu.memory_space<hbm>> -> memref<128xi32, #tpu.memory_space<hbm>>
      %dma_start3A_126 = tpu.memref_slice %arg3[%multiple_of3A_29] : memref<16384xi32, #tpu.memory_space<hbm>> -> memref<128xi32, #tpu.memory_space<hbm>>
      tpu.enqueue_dma source(%dma_start3A_126 : memref<128xi32, #tpu.memory_space<hbm>>) target(%arg14 : memref<128xi32, #tpu.memory_space<vmem>>) target_semaphore(%run_scoped3A : memref<!tpu.dma_semaphore, #tpu.memory_space<semaphore_mem>>)
      %dma_wait3A_127 = tpu.memref_slice %arg3[%multiple_of3A_29] : memref<16384xi32, #tpu.memory_space<hbm>> -> memref<128xi32, #tpu.memory_space<hbm>>
      %dma_wait3A_128 = tpu.memref_slice %arg3[%multiple_of3A_29] : memref<16384xi32, #tpu.memory_space<hbm>> -> memref<128xi32, #tpu.memory_space<hbm>>
      tpu.wait_dma2 semaphore(%run_scoped3A : memref<!tpu.dma_semaphore, #tpu.memory_space<semaphore_mem>>) src(%dma_wait3A_128 : memref<128xi32, #tpu.memory_space<hbm>>) dst(%arg14 : memref<128xi32, #tpu.memory_space<vmem>>)
      tpu.yield
    }) : () -> ()
    %dma_start3A_30 = arith.constant 0 : i32
    %dma_start3A_31 = arith.constant 0 : i32
    %dma_start3A_32 = tpu.memref_slice %arg22[%dma_start3A_30, %dma_start3A_31] : memref<1000x128xf32, #tpu.memory_space<vmem_shared>> -> memref<1000x128xf32, #tpu.memory_space<vmem_shared>>
    tpu.enqueue_indirect_dma source(%dma_start3A_32 : memref<1000x128xf32, #tpu.memory_space<vmem_shared>>) target(%arg17 : memref<128x128xf32, #tpu.memory_space<vmem>>) offsets(%arg14 : memref<128xi32, #tpu.memory_space<vmem>>) semaphore(%arg20 : memref<!tpu.dma_semaphore, #tpu.memory_space<semaphore_mem>>)
    %dma_start3A_33 = arith.constant 0 : i32
    %dma_start3A_34 = tpu.memref_slice %arg2[%dma_start3A_33, %multiple_of3A_29] : memref<64x16384xf32, #tpu.memory_space<hbm>> -> memref<64x128xf32, #tpu.memory_space<hbm>>
    %dma_start3A_35 = arith.constant 0 : i32
    %dma_start3A_36 = tpu.memref_slice %arg2[%dma_start3A_35, %multiple_of3A_29] : memref<64x16384xf32, #tpu.memory_space<hbm>> -> memref<64x128xf32, #tpu.memory_space<hbm>>
    tpu.enqueue_dma source(%dma_start3A_36 : memref<64x128xf32, #tpu.memory_space<hbm>>) target(%arg15 : memref<64x128xf32, #tpu.memory_space<vmem>>) target_semaphore(%arg18 : memref<!tpu.dma_semaphore, #tpu.memory_space<semaphore_mem>>)
    %dma_start3A_37 = arith.constant 0 : i32
    %dma_start3A_38 = tpu.memref_slice %arg4[%dma_start3A_37, %multiple_of3A_29] : memref<64x16384xf32, #tpu.memory_space<hbm>> -> memref<64x128xf32, #tpu.memory_space<hbm>>
    %dma_start3A_39 = arith.constant 0 : i32
    %dma_start3A_40 = tpu.memref_slice %arg4[%dma_start3A_39, %multiple_of3A_29] : memref<64x16384xf32, #tpu.memory_space<hbm>> -> memref<64x128xf32, #tpu.memory_space<hbm>>
    tpu.enqueue_dma source(%dma_start3A_40 : memref<64x128xf32, #tpu.memory_space<hbm>>) target(%arg16 : memref<64x128xf32, #tpu.memory_space<vmem>>) target_semaphore(%arg19 : memref<!tpu.dma_semaphore, #tpu.memory_space<semaphore_mem>>)
    %scan3A = arith.constant 0 : i32
    %scan3A_41 = arith.constant 0 : i32
    %scan3A_42 = arith.constant 8 : i32
    %scan3A_43 = arith.addi %scan3A_41, %scan3A_42 : i32
    %scan3A_44 = arith.constant 1 : i32
    scf.for %scan3A_125 = %scan3A_41 to %scan3A_43 step %scan3A_44  : i32 {
      %mul3A_126 = arith.constant 16 : i32
      %mul3A_127 = arith.muli %scan3A_125, %mul3A_126 : i32
      %add3A_128 = vector.broadcast %mul3A_127 : i32 to vector<16xi32>
      %add3A_129 = arith.addi %iota3A, %add3A_128 : vector<16xi32>
      %broadcast_in_dim3A = arith.constant 0.000000e+00 : f32
      %broadcast_in_dim3A_130 = vector.broadcast %broadcast_in_dim3A : f32 to vector<16xf32>
      %scan3A_131 = arith.constant 0 : i32
      %scan3A_132 = arith.constant 64 : i32
      %scan3A_133 = arith.addi %scan3A_131, %scan3A_132 : i32
      %scan3A_134 = arith.constant 8 : i32
      %scan3A_135 = scf.for %scan3A_142 = %scan3A_131 to %scan3A_133 step %scan3A_134 iter_args(%scan3A_143 = %broadcast_in_dim3A_130) -> (vector<16xf32>)  : i32 {
        %add3A_144 = vector.broadcast %scan3A_142 : i32 to vector<16xi32>
        %add3A_145 = arith.addi %iota3A, %add3A_144 : vector<16xi32>
        %and3A = arith.constant 63 : i32
        %and3A_146 = vector.broadcast %and3A : i32 to vector<16xi32>
        %and3A_147 = arith.andi %add3A_145, %and3A_146 : vector<16xi32>
        %gather3A = tpu.vector_load_idx %arg8[%and3A_147, %add3A_129] : memref<64x128xf32, #tpu.memory_space<vmem>>[vector<16xi32>, vector<16xi32>], vector<16xf32>,
        %gather3A_148 = tpu.vector_load_idx %arg9[%and3A_147, %add3A_129] : memref<64x128xf32, #tpu.memory_space<vmem>>[vector<16xi32>, vector<16xi32>], vector<16xf32>,
        %gather3A_149 = tpu.vector_load_idx %arg10[%add3A_129, %and3A_147] : memref<128x128xf32, #tpu.memory_space<vmem>>[vector<16xi32>, vector<16xi32>], vector<16xf32>,
        %mul3A_150 = arith.mulf %gather3A, %gather3A_149 : vector<16xf32>
        %mul3A_151 = arith.mulf %mul3A_150, %gather3A_148 : vector<16xf32>
        %add3A_152 = arith.addf %scan3A_143, %mul3A_151 : vector<16xf32>
        %scan3A_153 = arith.constant 1 : i32
        %scan3A_154 = arith.addi %scan3A_142, %scan3A_153 : i32
        %add3A_155 = vector.broadcast %scan3A_154 : i32 to vector<16xi32>
        %add3A_156 = arith.addi %iota3A, %add3A_155 : vector<16xi32>
        %and3A_157 = arith.constant 63 : i32
        %and3A_158 = vector.broadcast %and3A_157 : i32 to vector<16xi32>
        %and3A_159 = arith.andi %add3A_156, %and3A_158 : vector<16xi32>
        %gather3A_160 = tpu.vector_load_idx %arg8[%and3A_159, %add3A_129] : memref<64x128xf32, #tpu.memory_space<vmem>>[vector<16xi32>, vector<16xi32>], vector<16xf32>,
        %gather3A_161 = tpu.vector_load_idx %arg9[%and3A_159, %add3A_129] : memref<64x128xf32, #tpu.memory_space<vmem>>[vector<16xi32>, vector<16xi32>], vector<16xf32>,
        %gather3A_162 = tpu.vector_load_idx %arg10[%add3A_129, %and3A_159] : memref<128x128xf32, #tpu.memory_space<vmem>>[vector<16xi32>, vector<16xi32>], vector<16xf32>,
        %mul3A_163 = arith.mulf %gather3A_160, %gather3A_162 : vector<16xf32>
        %mul3A_164 = arith.mulf %mul3A_163, %gather3A_161 : vector<16xf32>
        %add3A_165 = arith.addf %add3A_152, %mul3A_164 : vector<16xf32>
        %scan3A_166 = arith.constant 2 : i32
        %scan3A_167 = arith.addi %scan3A_142, %scan3A_166 : i32
        %add3A_168 = vector.broadcast %scan3A_167 : i32 to vector<16xi32>
        %add3A_169 = arith.addi %iota3A, %add3A_168 : vector<16xi32>
        %and3A_170 = arith.constant 63 : i32
        %and3A_171 = vector.broadcast %and3A_170 : i32 to vector<16xi32>
        %and3A_172 = arith.andi %add3A_169, %and3A_171 : vector<16xi32>
        %gather3A_173 = tpu.vector_load_idx %arg8[%and3A_172, %add3A_129] : memref<64x128xf32, #tpu.memory_space<vmem>>[vector<16xi32>, vector<16xi32>], vector<16xf32>,
        %gather3A_174 = tpu.vector_load_idx %arg9[%and3A_172, %add3A_129] : memref<64x128xf32, #tpu.memory_space<vmem>>[vector<16xi32>, vector<16xi32>], vector<16xf32>,
        %gather3A_175 = tpu.vector_load_idx %arg10[%add3A_129, %and3A_172] : memref<128x128xf32, #tpu.memory_space<vmem>>[vector<16xi32>, vector<16xi32>], vector<16xf32>,
        %mul3A_176 = arith.mulf %gather3A_173, %gather3A_175 : vector<16xf32>
        %mul3A_177 = arith.mulf %mul3A_176, %gather3A_174 : vector<16xf32>
        %add3A_178 = arith.addf %add3A_165, %mul3A_177 : vector<16xf32>
        %scan3A_179 = arith.constant 3 : i32
        %scan3A_180 = arith.addi %scan3A_142, %scan3A_179 : i32
        %add3A_181 = vector.broadcast %scan3A_180 : i32 to vector<16xi32>
        %add3A_182 = arith.addi %iota3A, %add3A_181 : vector<16xi32>
        %and3A_183 = arith.constant 63 : i32
        %and3A_184 = vector.broadcast %and3A_183 : i32 to vector<16xi32>
        %and3A_185 = arith.andi %add3A_182, %and3A_184 : vector<16xi32>
        %gather3A_186 = tpu.vector_load_idx %arg8[%and3A_185, %add3A_129] : memref<64x128xf32, #tpu.memory_space<vmem>>[vector<16xi32>, vector<16xi32>], vector<16xf32>,
        %gather3A_187 = tpu.vector_load_idx %arg9[%and3A_185, %add3A_129] : memref<64x128xf32, #tpu.memory_space<vmem>>[vector<16xi32>, vector<16xi32>], vector<16xf32>,
        %gather3A_188 = tpu.vector_load_idx %arg10[%add3A_129, %and3A_185] : memref<128x128xf32, #tpu.memory_space<vmem>>[vector<16xi32>, vector<16xi32>], vector<16xf32>,
        %mul3A_189 = arith.mulf %gather3A_186, %gather3A_188 : vector<16xf32>
        %mul3A_190 = arith.mulf %mul3A_189, %gather3A_187 : vector<16xf32>
        %add3A_191 = arith.addf %add3A_178, %mul3A_190 : vector<16xf32>
        %scan3A_192 = arith.constant 4 : i32
        %scan3A_193 = arith.addi %scan3A_142, %scan3A_192 : i32
        %add3A_194 = vector.broadcast %scan3A_193 : i32 to vector<16xi32>
        %add3A_195 = arith.addi %iota3A, %add3A_194 : vector<16xi32>
        %and3A_196 = arith.constant 63 : i32
        %and3A_197 = vector.broadcast %and3A_196 : i32 to vector<16xi32>
        %and3A_198 = arith.andi %add3A_195, %and3A_197 : vector<16xi32>
        %gather3A_199 = tpu.vector_load_idx %arg8[%and3A_198, %add3A_129] : memref<64x128xf32, #tpu.memory_space<vmem>>[vector<16xi32>, vector<16xi32>], vector<16xf32>,
        %gather3A_200 = tpu.vector_load_idx %arg9[%and3A_198, %add3A_129] : memref<64x128xf32, #tpu.memory_space<vmem>>[vector<16xi32>, vector<16xi32>], vector<16xf32>,
        %gather3A_201 = tpu.vector_load_idx %arg10[%add3A_129, %and3A_198] : memref<128x128xf32, #tpu.memory_space<vmem>>[vector<16xi32>, vector<16xi32>], vector<16xf32>,
        %mul3A_202 = arith.mulf %gather3A_199, %gather3A_201 : vector<16xf32>
        %mul3A_203 = arith.mulf %mul3A_202, %gather3A_200 : vector<16xf32>
        %add3A_204 = arith.addf %add3A_191, %mul3A_203 : vector<16xf32>
        %scan3A_205 = arith.constant 5 : i32
        %scan3A_206 = arith.addi %scan3A_142, %scan3A_205 : i32
        %add3A_207 = vector.broadcast %scan3A_206 : i32 to vector<16xi32>
        %add3A_208 = arith.addi %iota3A, %add3A_207 : vector<16xi32>
        %and3A_209 = arith.constant 63 : i32
        %and3A_210 = vector.broadcast %and3A_209 : i32 to vector<16xi32>
        %and3A_211 = arith.andi %add3A_208, %and3A_210 : vector<16xi32>
        %gather3A_212 = tpu.vector_load_idx %arg8[%and3A_211, %add3A_129] : memref<64x128xf32, #tpu.memory_space<vmem>>[vector<16xi32>, vector<16xi32>], vector<16xf32>,
        %gather3A_213 = tpu.vector_load_idx %arg9[%and3A_211, %add3A_129] : memref<64x128xf32, #tpu.memory_space<vmem>>[vector<16xi32>, vector<16xi32>], vector<16xf32>,
        %gather3A_214 = tpu.vector_load_idx %arg10[%add3A_129, %and3A_211] : memref<128x128xf32, #tpu.memory_space<vmem>>[vector<16xi32>, vector<16xi32>], vector<16xf32>,
        %mul3A_215 = arith.mulf %gather3A_212, %gather3A_214 : vector<16xf32>
        %mul3A_216 = arith.mulf %mul3A_215, %gather3A_213 : vector<16xf32>
        %add3A_217 = arith.addf %add3A_204, %mul3A_216 : vector<16xf32>
        %scan3A_218 = arith.constant 6 : i32
        %scan3A_219 = arith.addi %scan3A_142, %scan3A_218 : i32
        %add3A_220 = vector.broadcast %scan3A_219 : i32 to vector<16xi32>
        %add3A_221 = arith.addi %iota3A, %add3A_220 : vector<16xi32>
        %and3A_222 = arith.constant 63 : i32
        %and3A_223 = vector.broadcast %and3A_222 : i32 to vector<16xi32>
        %and3A_224 = arith.andi %add3A_221, %and3A_223 : vector<16xi32>
        %gather3A_225 = tpu.vector_load_idx %arg8[%and3A_224, %add3A_129] : memref<64x128xf32, #tpu.memory_space<vmem>>[vector<16xi32>, vector<16xi32>], vector<16xf32>,
        %gather3A_226 = tpu.vector_load_idx %arg9[%and3A_224, %add3A_129] : memref<64x128xf32, #tpu.memory_space<vmem>>[vector<16xi32>, vector<16xi32>], vector<16xf32>,
        %gather3A_227 = tpu.vector_load_idx %arg10[%add3A_129, %and3A_224] : memref<128x128xf32, #tpu.memory_space<vmem>>[vector<16xi32>, vector<16xi32>], vector<16xf32>,
        %mul3A_228 = arith.mulf %gather3A_225, %gather3A_227 : vector<16xf32>
        %mul3A_229 = arith.mulf %mul3A_228, %gather3A_226 : vector<16xf32>
        %add3A_230 = arith.addf %add3A_217, %mul3A_229 : vector<16xf32>
        %scan3A_231 = arith.constant 7 : i32
        %scan3A_232 = arith.addi %scan3A_142, %scan3A_231 : i32
        %add3A_233 = vector.broadcast %scan3A_232 : i32 to vector<16xi32>
        %add3A_234 = arith.addi %iota3A, %add3A_233 : vector<16xi32>
        %and3A_235 = arith.constant 63 : i32
        %and3A_236 = vector.broadcast %and3A_235 : i32 to vector<16xi32>
        %and3A_237 = arith.andi %add3A_234, %and3A_236 : vector<16xi32>
        %gather3A_238 = tpu.vector_load_idx %arg8[%and3A_237, %add3A_129] : memref<64x128xf32, #tpu.memory_space<vmem>>[vector<16xi32>, vector<16xi32>], vector<16xf32>,
        %gather3A_239 = tpu.vector_load_idx %arg9[%and3A_237, %add3A_129] : memref<64x128xf32, #tpu.memory_space<vmem>>[vector<16xi32>, vector<16xi32>], vector<16xf32>,
        %gather3A_240 = tpu.vector_load_idx %arg10[%add3A_129, %and3A_237] : memref<128x128xf32, #tpu.memory_space<vmem>>[vector<16xi32>, vector<16xi32>], vector<16xf32>,
        %mul3A_241 = arith.mulf %gather3A_238, %gather3A_240 : vector<16xf32>
        %mul3A_242 = arith.mulf %mul3A_241, %gather3A_239 : vector<16xf32>
        %add3A_243 = arith.addf %add3A_230, %mul3A_242 : vector<16xf32>
        scf.yield %add3A_243 : vector<16xf32>
      }
      %scan3A_136 = arith.constant 64 : i32
      %mul3A_137 = arith.constant 16 : i32
      %mul3A_138 = arith.muli %scan3A_125, %mul3A_137 : i32
      %add3A_139 = arith.constant 0 : i32
      %add3A_140 = arith.addi %add3A_139, %mul3A_138 : i32
      %swap3A = arith.index_cast %add3A_140 : i32 to index
      %swap3A_141 = tpu.vector_load %arg21[%swap3A] {strides = array<i32>} : memref<512xf32, #tpu.memory_space<vmem>>, vector<16xf32>,
      tpu.vector_store %arg21[%swap3A], %scan3A_135 {strides = array<i32>} : memref<512xf32, #tpu.memory_space<vmem>>, vector<16xf32>,
    }
    %scan3A_45 = arith.constant 8 : i32
    %dma_wait3A_46 = arith.constant 0 : i32
    %dma_wait3A_47 = arith.constant 0 : i32
    %dma_wait3A_48 = tpu.memref_slice %arg22[%dma_wait3A_46, %dma_wait3A_47] : memref<1000x128xf32, #tpu.memory_space<vmem_shared>> -> memref<1000x128xf32, #tpu.memory_space<vmem_shared>>
    tpu.wait_indirect_dma semaphore(%arg20 : memref<!tpu.dma_semaphore, #tpu.memory_space<semaphore_mem>>) src(%dma_wait3A_48 : memref<1000x128xf32, #tpu.memory_space<vmem_shared>>) dst(%arg17 : memref<128x128xf32, #tpu.memory_space<vmem>>)
    %dma_wait3A_49 = arith.constant 0 : i32
    %dma_wait3A_50 = tpu.memref_slice %arg2[%dma_wait3A_49, %multiple_of3A_29] : memref<64x16384xf32, #tpu.memory_space<hbm>> -> memref<64x128xf32, #tpu.memory_space<hbm>>
    %dma_wait3A_51 = arith.constant 0 : i32
    %dma_wait3A_52 = tpu.memref_slice %arg2[%dma_wait3A_51, %multiple_of3A_29] : memref<64x16384xf32, #tpu.memory_space<hbm>> -> memref<64x128xf32, #tpu.memory_space<hbm>>
    tpu.wait_dma2 semaphore(%arg18 : memref<!tpu.dma_semaphore, #tpu.memory_space<semaphore_mem>>) src(%dma_wait3A_52 : memref<64x128xf32, #tpu.memory_space<hbm>>) dst(%arg15 : memref<64x128xf32, #tpu.memory_space<vmem>>)
    %dma_wait3A_53 = arith.constant 0 : i32
    %dma_wait3A_54 = tpu.memref_slice %arg4[%dma_wait3A_53, %multiple_of3A_29] : memref<64x16384xf32, #tpu.memory_space<hbm>> -> memref<64x128xf32, #tpu.memory_space<hbm>>
    %dma_wait3A_55 = arith.constant 0 : i32
    %dma_wait3A_56 = tpu.memref_slice %arg4[%dma_wait3A_55, %multiple_of3A_29] : memref<64x16384xf32, #tpu.memory_space<hbm>> -> memref<64x128xf32, #tpu.memory_space<hbm>>
    tpu.wait_dma2 semaphore(%arg19 : memref<!tpu.dma_semaphore, #tpu.memory_space<semaphore_mem>>) src(%dma_wait3A_56 : memref<64x128xf32, #tpu.memory_space<hbm>>) dst(%arg16 : memref<64x128xf32, #tpu.memory_space<vmem>>)
    %add3A_57 = arith.constant 256 : i32
    %add3A_58 = arith.addi %mul3A_2, %add3A_57 : i32
    %multiple_of3A_59 = tpu.assume_multiple %add3A_58, 128 : i32
    "tpu.region"() ({
      %run_scoped3A = tpu.sem_alloc : memref<!tpu.dma_semaphore, #tpu.memory_space<semaphore_mem>>
      %dma_start3A_125 = tpu.memref_slice %arg3[%multiple_of3A_59] : memref<16384xi32, #tpu.memory_space<hbm>> -> memref<128xi32, #tpu.memory_space<hbm>>
      %dma_start3A_126 = tpu.memref_slice %arg3[%multiple_of3A_59] : memref<16384xi32, #tpu.memory_space<hbm>> -> memref<128xi32, #tpu.memory_space<hbm>>
      tpu.enqueue_dma source(%dma_start3A_126 : memref<128xi32, #tpu.memory_space<hbm>>) target(%arg7 : memref<128xi32, #tpu.memory_space<vmem>>) target_semaphore(%run_scoped3A : memref<!tpu.dma_semaphore, #tpu.memory_space<semaphore_mem>>)
      %dma_wait3A_127 = tpu.memref_slice %arg3[%multiple_of3A_59] : memref<16384xi32, #tpu.memory_space<hbm>> -> memref<128xi32, #tpu.memory_space<hbm>>
      %dma_wait3A_128 = tpu.memref_slice %arg3[%multiple_of3A_59] : memref<16384xi32, #tpu.memory_space<hbm>> -> memref<128xi32, #tpu.memory_space<hbm>>
      tpu.wait_dma2 semaphore(%run_scoped3A : memref<!tpu.dma_semaphore, #tpu.memory_space<semaphore_mem>>) src(%dma_wait3A_128 : memref<128xi32, #tpu.memory_space<hbm>>) dst(%arg7 : memref<128xi32, #tpu.memory_space<vmem>>)
      tpu.yield
    }) : () -> ()
    %dma_start3A_60 = arith.constant 0 : i32
    %dma_start3A_61 = arith.constant 0 : i32
    %dma_start3A_62 = tpu.memref_slice %arg22[%dma_start3A_60, %dma_start3A_61] : memref<1000x128xf32, #tpu.memory_space<vmem_shared>> -> memref<1000x128xf32, #tpu.memory_space<vmem_shared>>
    tpu.enqueue_indirect_dma source(%dma_start3A_62 : memref<1000x128xf32, #tpu.memory_space<vmem_shared>>) target(%arg10 : memref<128x128xf32, #tpu.memory_space<vmem>>) offsets(%arg7 : memref<128xi32, #tpu.memory_space<vmem>>) semaphore(%arg13 : memref<!tpu.dma_semaphore, #tpu.memory_space<semaphore_mem>>)
    %dma_start3A_63 = arith.constant 0 : i32
    %dma_start3A_64 = tpu.memref_slice %arg2[%dma_start3A_63, %multiple_of3A_59] : memref<64x16384xf32, #tpu.memory_space<hbm>> -> memref<64x128xf32, #tpu.memory_space<hbm>>
    %dma_start3A_65 = arith.constant 0 : i32
    %dma_start3A_66 = tpu.memref_slice %arg2[%dma_start3A_65, %multiple_of3A_59] : memref<64x16384xf32, #tpu.memory_space<hbm>> -> memref<64x128xf32, #tpu.memory_space<hbm>>
    tpu.enqueue_dma source(%dma_start3A_66 : memref<64x128xf32, #tpu.memory_space<hbm>>) target(%arg8 : memref<64x128xf32, #tpu.memory_space<vmem>>) target_semaphore(%arg11 : memref<!tpu.dma_semaphore, #tpu.memory_space<semaphore_mem>>)
    %dma_start3A_67 = arith.constant 0 : i32
    %dma_start3A_68 = tpu.memref_slice %arg4[%dma_start3A_67, %multiple_of3A_59] : memref<64x16384xf32, #tpu.memory_space<hbm>> -> memref<64x128xf32, #tpu.memory_space<hbm>>
    %dma_start3A_69 = arith.constant 0 : i32
    %dma_start3A_70 = tpu.memref_slice %arg4[%dma_start3A_69, %multiple_of3A_59] : memref<64x16384xf32, #tpu.memory_space<hbm>> -> memref<64x128xf32, #tpu.memory_space<hbm>>
    tpu.enqueue_dma source(%dma_start3A_70 : memref<64x128xf32, #tpu.memory_space<hbm>>) target(%arg9 : memref<64x128xf32, #tpu.memory_space<vmem>>) target_semaphore(%arg12 : memref<!tpu.dma_semaphore, #tpu.memory_space<semaphore_mem>>)
    %scan3A_71 = arith.constant 0 : i32
    %scan3A_72 = arith.constant 0 : i32
    %scan3A_73 = arith.constant 8 : i32
    %scan3A_74 = arith.addi %scan3A_72, %scan3A_73 : i32
    %scan3A_75 = arith.constant 1 : i32
    scf.for %scan3A_125 = %scan3A_72 to %scan3A_74 step %scan3A_75  : i32 {
      %mul3A_126 = arith.constant 16 : i32
      %mul3A_127 = arith.muli %scan3A_125, %mul3A_126 : i32
      %add3A_128 = vector.broadcast %mul3A_127 : i32 to vector<16xi32>
      %add3A_129 = arith.addi %iota3A, %add3A_128 : vector<16xi32>
      %broadcast_in_dim3A = arith.constant 0.000000e+00 : f32
      %broadcast_in_dim3A_130 = vector.broadcast %broadcast_in_dim3A : f32 to vector<16xf32>
      %scan3A_131 = arith.constant 0 : i32
      %scan3A_132 = arith.constant 64 : i32
      %scan3A_133 = arith.addi %scan3A_131, %scan3A_132 : i32
      %scan3A_134 = arith.constant 8 : i32
      %scan3A_135 = scf.for %scan3A_142 = %scan3A_131 to %scan3A_133 step %scan3A_134 iter_args(%scan3A_143 = %broadcast_in_dim3A_130) -> (vector<16xf32>)  : i32 {
        %add3A_144 = vector.broadcast %scan3A_142 : i32 to vector<16xi32>
        %add3A_145 = arith.addi %iota3A, %add3A_144 : vector<16xi32>
        %and3A = arith.constant 63 : i32
        %and3A_146 = vector.broadcast %and3A : i32 to vector<16xi32>
        %and3A_147 = arith.andi %add3A_145, %and3A_146 : vector<16xi32>
        %gather3A = tpu.vector_load_idx %arg15[%and3A_147, %add3A_129] : memref<64x128xf32, #tpu.memory_space<vmem>>[vector<16xi32>, vector<16xi32>], vector<16xf32>,
        %gather3A_148 = tpu.vector_load_idx %arg16[%and3A_147, %add3A_129] : memref<64x128xf32, #tpu.memory_space<vmem>>[vector<16xi32>, vector<16xi32>], vector<16xf32>,
        %gather3A_149 = tpu.vector_load_idx %arg17[%add3A_129, %and3A_147] : memref<128x128xf32, #tpu.memory_space<vmem>>[vector<16xi32>, vector<16xi32>], vector<16xf32>,
        %mul3A_150 = arith.mulf %gather3A, %gather3A_149 : vector<16xf32>
        %mul3A_151 = arith.mulf %mul3A_150, %gather3A_148 : vector<16xf32>
        %add3A_152 = arith.addf %scan3A_143, %mul3A_151 : vector<16xf32>
        %scan3A_153 = arith.constant 1 : i32
        %scan3A_154 = arith.addi %scan3A_142, %scan3A_153 : i32
        %add3A_155 = vector.broadcast %scan3A_154 : i32 to vector<16xi32>
        %add3A_156 = arith.addi %iota3A, %add3A_155 : vector<16xi32>
        %and3A_157 = arith.constant 63 : i32
        %and3A_158 = vector.broadcast %and3A_157 : i32 to vector<16xi32>
        %and3A_159 = arith.andi %add3A_156, %and3A_158 : vector<16xi32>
        %gather3A_160 = tpu.vector_load_idx %arg15[%and3A_159, %add3A_129] : memref<64x128xf32, #tpu.memory_space<vmem>>[vector<16xi32>, vector<16xi32>], vector<16xf32>,
        %gather3A_161 = tpu.vector_load_idx %arg16[%and3A_159, %add3A_129] : memref<64x128xf32, #tpu.memory_space<vmem>>[vector<16xi32>, vector<16xi32>], vector<16xf32>,
        %gather3A_162 = tpu.vector_load_idx %arg17[%add3A_129, %and3A_159] : memref<128x128xf32, #tpu.memory_space<vmem>>[vector<16xi32>, vector<16xi32>], vector<16xf32>,
        %mul3A_163 = arith.mulf %gather3A_160, %gather3A_162 : vector<16xf32>
        %mul3A_164 = arith.mulf %mul3A_163, %gather3A_161 : vector<16xf32>
        %add3A_165 = arith.addf %add3A_152, %mul3A_164 : vector<16xf32>
        %scan3A_166 = arith.constant 2 : i32
        %scan3A_167 = arith.addi %scan3A_142, %scan3A_166 : i32
        %add3A_168 = vector.broadcast %scan3A_167 : i32 to vector<16xi32>
        %add3A_169 = arith.addi %iota3A, %add3A_168 : vector<16xi32>
        %and3A_170 = arith.constant 63 : i32
        %and3A_171 = vector.broadcast %and3A_170 : i32 to vector<16xi32>
        %and3A_172 = arith.andi %add3A_169, %and3A_171 : vector<16xi32>
        %gather3A_173 = tpu.vector_load_idx %arg15[%and3A_172, %add3A_129] : memref<64x128xf32, #tpu.memory_space<vmem>>[vector<16xi32>, vector<16xi32>], vector<16xf32>,
        %gather3A_174 = tpu.vector_load_idx %arg16[%and3A_172, %add3A_129] : memref<64x128xf32, #tpu.memory_space<vmem>>[vector<16xi32>, vector<16xi32>], vector<16xf32>,
        %gather3A_175 = tpu.vector_load_idx %arg17[%add3A_129, %and3A_172] : memref<128x128xf32, #tpu.memory_space<vmem>>[vector<16xi32>, vector<16xi32>], vector<16xf32>,
        %mul3A_176 = arith.mulf %gather3A_173, %gather3A_175 : vector<16xf32>
        %mul3A_177 = arith.mulf %mul3A_176, %gather3A_174 : vector<16xf32>
        %add3A_178 = arith.addf %add3A_165, %mul3A_177 : vector<16xf32>
        %scan3A_179 = arith.constant 3 : i32
        %scan3A_180 = arith.addi %scan3A_142, %scan3A_179 : i32
        %add3A_181 = vector.broadcast %scan3A_180 : i32 to vector<16xi32>
        %add3A_182 = arith.addi %iota3A, %add3A_181 : vector<16xi32>
        %and3A_183 = arith.constant 63 : i32
        %and3A_184 = vector.broadcast %and3A_183 : i32 to vector<16xi32>
        %and3A_185 = arith.andi %add3A_182, %and3A_184 : vector<16xi32>
        %gather3A_186 = tpu.vector_load_idx %arg15[%and3A_185, %add3A_129] : memref<64x128xf32, #tpu.memory_space<vmem>>[vector<16xi32>, vector<16xi32>], vector<16xf32>,
        %gather3A_187 = tpu.vector_load_idx %arg16[%and3A_185, %add3A_129] : memref<64x128xf32, #tpu.memory_space<vmem>>[vector<16xi32>, vector<16xi32>], vector<16xf32>,
        %gather3A_188 = tpu.vector_load_idx %arg17[%add3A_129, %and3A_185] : memref<128x128xf32, #tpu.memory_space<vmem>>[vector<16xi32>, vector<16xi32>], vector<16xf32>,
        %mul3A_189 = arith.mulf %gather3A_186, %gather3A_188 : vector<16xf32>
        %mul3A_190 = arith.mulf %mul3A_189, %gather3A_187 : vector<16xf32>
        %add3A_191 = arith.addf %add3A_178, %mul3A_190 : vector<16xf32>
        %scan3A_192 = arith.constant 4 : i32
        %scan3A_193 = arith.addi %scan3A_142, %scan3A_192 : i32
        %add3A_194 = vector.broadcast %scan3A_193 : i32 to vector<16xi32>
        %add3A_195 = arith.addi %iota3A, %add3A_194 : vector<16xi32>
        %and3A_196 = arith.constant 63 : i32
        %and3A_197 = vector.broadcast %and3A_196 : i32 to vector<16xi32>
        %and3A_198 = arith.andi %add3A_195, %and3A_197 : vector<16xi32>
        %gather3A_199 = tpu.vector_load_idx %arg15[%and3A_198, %add3A_129] : memref<64x128xf32, #tpu.memory_space<vmem>>[vector<16xi32>, vector<16xi32>], vector<16xf32>,
        %gather3A_200 = tpu.vector_load_idx %arg16[%and3A_198, %add3A_129] : memref<64x128xf32, #tpu.memory_space<vmem>>[vector<16xi32>, vector<16xi32>], vector<16xf32>,
        %gather3A_201 = tpu.vector_load_idx %arg17[%add3A_129, %and3A_198] : memref<128x128xf32, #tpu.memory_space<vmem>>[vector<16xi32>, vector<16xi32>], vector<16xf32>,
        %mul3A_202 = arith.mulf %gather3A_199, %gather3A_201 : vector<16xf32>
        %mul3A_203 = arith.mulf %mul3A_202, %gather3A_200 : vector<16xf32>
        %add3A_204 = arith.addf %add3A_191, %mul3A_203 : vector<16xf32>
        %scan3A_205 = arith.constant 5 : i32
        %scan3A_206 = arith.addi %scan3A_142, %scan3A_205 : i32
        %add3A_207 = vector.broadcast %scan3A_206 : i32 to vector<16xi32>
        %add3A_208 = arith.addi %iota3A, %add3A_207 : vector<16xi32>
        %and3A_209 = arith.constant 63 : i32
        %and3A_210 = vector.broadcast %and3A_209 : i32 to vector<16xi32>
        %and3A_211 = arith.andi %add3A_208, %and3A_210 : vector<16xi32>
        %gather3A_212 = tpu.vector_load_idx %arg15[%and3A_211, %add3A_129] : memref<64x128xf32, #tpu.memory_space<vmem>>[vector<16xi32>, vector<16xi32>], vector<16xf32>,
        %gather3A_213 = tpu.vector_load_idx %arg16[%and3A_211, %add3A_129] : memref<64x128xf32, #tpu.memory_space<vmem>>[vector<16xi32>, vector<16xi32>], vector<16xf32>,
        %gather3A_214 = tpu.vector_load_idx %arg17[%add3A_129, %and3A_211] : memref<128x128xf32, #tpu.memory_space<vmem>>[vector<16xi32>, vector<16xi32>], vector<16xf32>,
        %mul3A_215 = arith.mulf %gather3A_212, %gather3A_214 : vector<16xf32>
        %mul3A_216 = arith.mulf %mul3A_215, %gather3A_213 : vector<16xf32>
        %add3A_217 = arith.addf %add3A_204, %mul3A_216 : vector<16xf32>
        %scan3A_218 = arith.constant 6 : i32
        %scan3A_219 = arith.addi %scan3A_142, %scan3A_218 : i32
        %add3A_220 = vector.broadcast %scan3A_219 : i32 to vector<16xi32>
        %add3A_221 = arith.addi %iota3A, %add3A_220 : vector<16xi32>
        %and3A_222 = arith.constant 63 : i32
        %and3A_223 = vector.broadcast %and3A_222 : i32 to vector<16xi32>
        %and3A_224 = arith.andi %add3A_221, %and3A_223 : vector<16xi32>
        %gather3A_225 = tpu.vector_load_idx %arg15[%and3A_224, %add3A_129] : memref<64x128xf32, #tpu.memory_space<vmem>>[vector<16xi32>, vector<16xi32>], vector<16xf32>,
        %gather3A_226 = tpu.vector_load_idx %arg16[%and3A_224, %add3A_129] : memref<64x128xf32, #tpu.memory_space<vmem>>[vector<16xi32>, vector<16xi32>], vector<16xf32>,
        %gather3A_227 = tpu.vector_load_idx %arg17[%add3A_129, %and3A_224] : memref<128x128xf32, #tpu.memory_space<vmem>>[vector<16xi32>, vector<16xi32>], vector<16xf32>,
        %mul3A_228 = arith.mulf %gather3A_225, %gather3A_227 : vector<16xf32>
        %mul3A_229 = arith.mulf %mul3A_228, %gather3A_226 : vector<16xf32>
        %add3A_230 = arith.addf %add3A_217, %mul3A_229 : vector<16xf32>
        %scan3A_231 = arith.constant 7 : i32
        %scan3A_232 = arith.addi %scan3A_142, %scan3A_231 : i32
        %add3A_233 = vector.broadcast %scan3A_232 : i32 to vector<16xi32>
        %add3A_234 = arith.addi %iota3A, %add3A_233 : vector<16xi32>
        %and3A_235 = arith.constant 63 : i32
        %and3A_236 = vector.broadcast %and3A_235 : i32 to vector<16xi32>
        %and3A_237 = arith.andi %add3A_234, %and3A_236 : vector<16xi32>
        %gather3A_238 = tpu.vector_load_idx %arg15[%and3A_237, %add3A_129] : memref<64x128xf32, #tpu.memory_space<vmem>>[vector<16xi32>, vector<16xi32>], vector<16xf32>,
        %gather3A_239 = tpu.vector_load_idx %arg16[%and3A_237, %add3A_129] : memref<64x128xf32, #tpu.memory_space<vmem>>[vector<16xi32>, vector<16xi32>], vector<16xf32>,
        %gather3A_240 = tpu.vector_load_idx %arg17[%add3A_129, %and3A_237] : memref<128x128xf32, #tpu.memory_space<vmem>>[vector<16xi32>, vector<16xi32>], vector<16xf32>,
        %mul3A_241 = arith.mulf %gather3A_238, %gather3A_240 : vector<16xf32>
        %mul3A_242 = arith.mulf %mul3A_241, %gather3A_239 : vector<16xf32>
        %add3A_243 = arith.addf %add3A_230, %mul3A_242 : vector<16xf32>
        scf.yield %add3A_243 : vector<16xf32>
      }
      %scan3A_136 = arith.constant 64 : i32
      %mul3A_137 = arith.constant 16 : i32
      %mul3A_138 = arith.muli %scan3A_125, %mul3A_137 : i32
      %add3A_139 = arith.constant 128 : i32
      %add3A_140 = arith.addi %add3A_139, %mul3A_138 : i32
      %swap3A = arith.index_cast %add3A_140 : i32 to index
      %swap3A_141 = tpu.vector_load %arg21[%swap3A] {strides = array<i32>} : memref<512xf32, #tpu.memory_space<vmem>>, vector<16xf32>,
      tpu.vector_store %arg21[%swap3A], %scan3A_135 {strides = array<i32>} : memref<512xf32, #tpu.memory_space<vmem>>, vector<16xf32>,
    }
    %scan3A_76 = arith.constant 8 : i32
    %dma_wait3A_77 = arith.constant 0 : i32
    %dma_wait3A_78 = arith.constant 0 : i32
    %dma_wait3A_79 = tpu.memref_slice %arg22[%dma_wait3A_77, %dma_wait3A_78] : memref<1000x128xf32, #tpu.memory_space<vmem_shared>> -> memref<1000x128xf32, #tpu.memory_space<vmem_shared>>
    tpu.wait_indirect_dma semaphore(%arg13 : memref<!tpu.dma_semaphore, #tpu.memory_space<semaphore_mem>>) src(%dma_wait3A_79 : memref<1000x128xf32, #tpu.memory_space<vmem_shared>>) dst(%arg10 : memref<128x128xf32, #tpu.memory_space<vmem>>)
    %dma_wait3A_80 = arith.constant 0 : i32
    %dma_wait3A_81 = tpu.memref_slice %arg2[%dma_wait3A_80, %multiple_of3A_59] : memref<64x16384xf32, #tpu.memory_space<hbm>> -> memref<64x128xf32, #tpu.memory_space<hbm>>
    %dma_wait3A_82 = arith.constant 0 : i32
    %dma_wait3A_83 = tpu.memref_slice %arg2[%dma_wait3A_82, %multiple_of3A_59] : memref<64x16384xf32, #tpu.memory_space<hbm>> -> memref<64x128xf32, #tpu.memory_space<hbm>>
    tpu.wait_dma2 semaphore(%arg11 : memref<!tpu.dma_semaphore, #tpu.memory_space<semaphore_mem>>) src(%dma_wait3A_83 : memref<64x128xf32, #tpu.memory_space<hbm>>) dst(%arg8 : memref<64x128xf32, #tpu.memory_space<vmem>>)
    %dma_wait3A_84 = arith.constant 0 : i32
    %dma_wait3A_85 = tpu.memref_slice %arg4[%dma_wait3A_84, %multiple_of3A_59] : memref<64x16384xf32, #tpu.memory_space<hbm>> -> memref<64x128xf32, #tpu.memory_space<hbm>>
    %dma_wait3A_86 = arith.constant 0 : i32
    %dma_wait3A_87 = tpu.memref_slice %arg4[%dma_wait3A_86, %multiple_of3A_59] : memref<64x16384xf32, #tpu.memory_space<hbm>> -> memref<64x128xf32, #tpu.memory_space<hbm>>
    tpu.wait_dma2 semaphore(%arg12 : memref<!tpu.dma_semaphore, #tpu.memory_space<semaphore_mem>>) src(%dma_wait3A_87 : memref<64x128xf32, #tpu.memory_space<hbm>>) dst(%arg9 : memref<64x128xf32, #tpu.memory_space<vmem>>)
    %add3A_88 = arith.constant 384 : i32
    %add3A_89 = arith.addi %mul3A_2, %add3A_88 : i32
    %multiple_of3A_90 = tpu.assume_multiple %add3A_89, 128 : i32
    "tpu.region"() ({
      %run_scoped3A = tpu.sem_alloc : memref<!tpu.dma_semaphore, #tpu.memory_space<semaphore_mem>>
      %dma_start3A_125 = tpu.memref_slice %arg3[%multiple_of3A_90] : memref<16384xi32, #tpu.memory_space<hbm>> -> memref<128xi32, #tpu.memory_space<hbm>>
      %dma_start3A_126 = tpu.memref_slice %arg3[%multiple_of3A_90] : memref<16384xi32, #tpu.memory_space<hbm>> -> memref<128xi32, #tpu.memory_space<hbm>>
      tpu.enqueue_dma source(%dma_start3A_126 : memref<128xi32, #tpu.memory_space<hbm>>) target(%arg14 : memref<128xi32, #tpu.memory_space<vmem>>) target_semaphore(%run_scoped3A : memref<!tpu.dma_semaphore, #tpu.memory_space<semaphore_mem>>)
      %dma_wait3A_127 = tpu.memref_slice %arg3[%multiple_of3A_90] : memref<16384xi32, #tpu.memory_space<hbm>> -> memref<128xi32, #tpu.memory_space<hbm>>
      %dma_wait3A_128 = tpu.memref_slice %arg3[%multiple_of3A_90] : memref<16384xi32, #tpu.memory_space<hbm>> -> memref<128xi32, #tpu.memory_space<hbm>>
      tpu.wait_dma2 semaphore(%run_scoped3A : memref<!tpu.dma_semaphore, #tpu.memory_space<semaphore_mem>>) src(%dma_wait3A_128 : memref<128xi32, #tpu.memory_space<hbm>>) dst(%arg14 : memref<128xi32, #tpu.memory_space<vmem>>)
      tpu.yield
    }) : () -> ()
    %dma_start3A_91 = arith.constant 0 : i32
    %dma_start3A_92 = arith.constant 0 : i32
    %dma_start3A_93 = tpu.memref_slice %arg22[%dma_start3A_91, %dma_start3A_92] : memref<1000x128xf32, #tpu.memory_space<vmem_shared>> -> memref<1000x128xf32, #tpu.memory_space<vmem_shared>>
    tpu.enqueue_indirect_dma source(%dma_start3A_93 : memref<1000x128xf32, #tpu.memory_space<vmem_shared>>) target(%arg17 : memref<128x128xf32, #tpu.memory_space<vmem>>) offsets(%arg14 : memref<128xi32, #tpu.memory_space<vmem>>) semaphore(%arg20 : memref<!tpu.dma_semaphore, #tpu.memory_space<semaphore_mem>>)
    %dma_start3A_94 = arith.constant 0 : i32
    %dma_start3A_95 = tpu.memref_slice %arg2[%dma_start3A_94, %multiple_of3A_90] : memref<64x16384xf32, #tpu.memory_space<hbm>> -> memref<64x128xf32, #tpu.memory_space<hbm>>
    %dma_start3A_96 = arith.constant 0 : i32
    %dma_start3A_97 = tpu.memref_slice %arg2[%dma_start3A_96, %multiple_of3A_90] : memref<64x16384xf32, #tpu.memory_space<hbm>> -> memref<64x128xf32, #tpu.memory_space<hbm>>
    tpu.enqueue_dma source(%dma_start3A_97 : memref<64x128xf32, #tpu.memory_space<hbm>>) target(%arg15 : memref<64x128xf32, #tpu.memory_space<vmem>>) target_semaphore(%arg18 : memref<!tpu.dma_semaphore, #tpu.memory_space<semaphore_mem>>)
    %dma_start3A_98 = arith.constant 0 : i32
    %dma_start3A_99 = tpu.memref_slice %arg4[%dma_start3A_98, %multiple_of3A_90] : memref<64x16384xf32, #tpu.memory_space<hbm>> -> memref<64x128xf32, #tpu.memory_space<hbm>>
    %dma_start3A_100 = arith.constant 0 : i32
    %dma_start3A_101 = tpu.memref_slice %arg4[%dma_start3A_100, %multiple_of3A_90] : memref<64x16384xf32, #tpu.memory_space<hbm>> -> memref<64x128xf32, #tpu.memory_space<hbm>>
    tpu.enqueue_dma source(%dma_start3A_101 : memref<64x128xf32, #tpu.memory_space<hbm>>) target(%arg16 : memref<64x128xf32, #tpu.memory_space<vmem>>) target_semaphore(%arg19 : memref<!tpu.dma_semaphore, #tpu.memory_space<semaphore_mem>>)
    %scan3A_102 = arith.constant 0 : i32
    %scan3A_103 = arith.constant 0 : i32
    %scan3A_104 = arith.constant 8 : i32
    %scan3A_105 = arith.addi %scan3A_103, %scan3A_104 : i32
    %scan3A_106 = arith.constant 1 : i32
    scf.for %scan3A_125 = %scan3A_103 to %scan3A_105 step %scan3A_106  : i32 {
      %mul3A_126 = arith.constant 16 : i32
      %mul3A_127 = arith.muli %scan3A_125, %mul3A_126 : i32
      %add3A_128 = vector.broadcast %mul3A_127 : i32 to vector<16xi32>
      %add3A_129 = arith.addi %iota3A, %add3A_128 : vector<16xi32>
      %broadcast_in_dim3A = arith.constant 0.000000e+00 : f32
      %broadcast_in_dim3A_130 = vector.broadcast %broadcast_in_dim3A : f32 to vector<16xf32>
      %scan3A_131 = arith.constant 0 : i32
      %scan3A_132 = arith.constant 64 : i32
      %scan3A_133 = arith.addi %scan3A_131, %scan3A_132 : i32
      %scan3A_134 = arith.constant 8 : i32
      %scan3A_135 = scf.for %scan3A_142 = %scan3A_131 to %scan3A_133 step %scan3A_134 iter_args(%scan3A_143 = %broadcast_in_dim3A_130) -> (vector<16xf32>)  : i32 {
        %add3A_144 = vector.broadcast %scan3A_142 : i32 to vector<16xi32>
        %add3A_145 = arith.addi %iota3A, %add3A_144 : vector<16xi32>
        %and3A = arith.constant 63 : i32
        %and3A_146 = vector.broadcast %and3A : i32 to vector<16xi32>
        %and3A_147 = arith.andi %add3A_145, %and3A_146 : vector<16xi32>
        %gather3A = tpu.vector_load_idx %arg8[%and3A_147, %add3A_129] : memref<64x128xf32, #tpu.memory_space<vmem>>[vector<16xi32>, vector<16xi32>], vector<16xf32>,
        %gather3A_148 = tpu.vector_load_idx %arg9[%and3A_147, %add3A_129] : memref<64x128xf32, #tpu.memory_space<vmem>>[vector<16xi32>, vector<16xi32>], vector<16xf32>,
        %gather3A_149 = tpu.vector_load_idx %arg10[%add3A_129, %and3A_147] : memref<128x128xf32, #tpu.memory_space<vmem>>[vector<16xi32>, vector<16xi32>], vector<16xf32>,
        %mul3A_150 = arith.mulf %gather3A, %gather3A_149 : vector<16xf32>
        %mul3A_151 = arith.mulf %mul3A_150, %gather3A_148 : vector<16xf32>
        %add3A_152 = arith.addf %scan3A_143, %mul3A_151 : vector<16xf32>
        %scan3A_153 = arith.constant 1 : i32
        %scan3A_154 = arith.addi %scan3A_142, %scan3A_153 : i32
        %add3A_155 = vector.broadcast %scan3A_154 : i32 to vector<16xi32>
        %add3A_156 = arith.addi %iota3A, %add3A_155 : vector<16xi32>
        %and3A_157 = arith.constant 63 : i32
        %and3A_158 = vector.broadcast %and3A_157 : i32 to vector<16xi32>
        %and3A_159 = arith.andi %add3A_156, %and3A_158 : vector<16xi32>
        %gather3A_160 = tpu.vector_load_idx %arg8[%and3A_159, %add3A_129] : memref<64x128xf32, #tpu.memory_space<vmem>>[vector<16xi32>, vector<16xi32>], vector<16xf32>,
        %gather3A_161 = tpu.vector_load_idx %arg9[%and3A_159, %add3A_129] : memref<64x128xf32, #tpu.memory_space<vmem>>[vector<16xi32>, vector<16xi32>], vector<16xf32>,
        %gather3A_162 = tpu.vector_load_idx %arg10[%add3A_129, %and3A_159] : memref<128x128xf32, #tpu.memory_space<vmem>>[vector<16xi32>, vector<16xi32>], vector<16xf32>,
        %mul3A_163 = arith.mulf %gather3A_160, %gather3A_162 : vector<16xf32>
        %mul3A_164 = arith.mulf %mul3A_163, %gather3A_161 : vector<16xf32>
        %add3A_165 = arith.addf %add3A_152, %mul3A_164 : vector<16xf32>
        %scan3A_166 = arith.constant 2 : i32
        %scan3A_167 = arith.addi %scan3A_142, %scan3A_166 : i32
        %add3A_168 = vector.broadcast %scan3A_167 : i32 to vector<16xi32>
        %add3A_169 = arith.addi %iota3A, %add3A_168 : vector<16xi32>
        %and3A_170 = arith.constant 63 : i32
        %and3A_171 = vector.broadcast %and3A_170 : i32 to vector<16xi32>
        %and3A_172 = arith.andi %add3A_169, %and3A_171 : vector<16xi32>
        %gather3A_173 = tpu.vector_load_idx %arg8[%and3A_172, %add3A_129] : memref<64x128xf32, #tpu.memory_space<vmem>>[vector<16xi32>, vector<16xi32>], vector<16xf32>,
        %gather3A_174 = tpu.vector_load_idx %arg9[%and3A_172, %add3A_129] : memref<64x128xf32, #tpu.memory_space<vmem>>[vector<16xi32>, vector<16xi32>], vector<16xf32>,
        %gather3A_175 = tpu.vector_load_idx %arg10[%add3A_129, %and3A_172] : memref<128x128xf32, #tpu.memory_space<vmem>>[vector<16xi32>, vector<16xi32>], vector<16xf32>,
        %mul3A_176 = arith.mulf %gather3A_173, %gather3A_175 : vector<16xf32>
        %mul3A_177 = arith.mulf %mul3A_176, %gather3A_174 : vector<16xf32>
        %add3A_178 = arith.addf %add3A_165, %mul3A_177 : vector<16xf32>
        %scan3A_179 = arith.constant 3 : i32
        %scan3A_180 = arith.addi %scan3A_142, %scan3A_179 : i32
        %add3A_181 = vector.broadcast %scan3A_180 : i32 to vector<16xi32>
        %add3A_182 = arith.addi %iota3A, %add3A_181 : vector<16xi32>
        %and3A_183 = arith.constant 63 : i32
        %and3A_184 = vector.broadcast %and3A_183 : i32 to vector<16xi32>
        %and3A_185 = arith.andi %add3A_182, %and3A_184 : vector<16xi32>
        %gather3A_186 = tpu.vector_load_idx %arg8[%and3A_185, %add3A_129] : memref<64x128xf32, #tpu.memory_space<vmem>>[vector<16xi32>, vector<16xi32>], vector<16xf32>,
        %gather3A_187 = tpu.vector_load_idx %arg9[%and3A_185, %add3A_129] : memref<64x128xf32, #tpu.memory_space<vmem>>[vector<16xi32>, vector<16xi32>], vector<16xf32>,
        %gather3A_188 = tpu.vector_load_idx %arg10[%add3A_129, %and3A_185] : memref<128x128xf32, #tpu.memory_space<vmem>>[vector<16xi32>, vector<16xi32>], vector<16xf32>,
        %mul3A_189 = arith.mulf %gather3A_186, %gather3A_188 : vector<16xf32>
        %mul3A_190 = arith.mulf %mul3A_189, %gather3A_187 : vector<16xf32>
        %add3A_191 = arith.addf %add3A_178, %mul3A_190 : vector<16xf32>
        %scan3A_192 = arith.constant 4 : i32
        %scan3A_193 = arith.addi %scan3A_142, %scan3A_192 : i32
        %add3A_194 = vector.broadcast %scan3A_193 : i32 to vector<16xi32>
        %add3A_195 = arith.addi %iota3A, %add3A_194 : vector<16xi32>
        %and3A_196 = arith.constant 63 : i32
        %and3A_197 = vector.broadcast %and3A_196 : i32 to vector<16xi32>
        %and3A_198 = arith.andi %add3A_195, %and3A_197 : vector<16xi32>
        %gather3A_199 = tpu.vector_load_idx %arg8[%and3A_198, %add3A_129] : memref<64x128xf32, #tpu.memory_space<vmem>>[vector<16xi32>, vector<16xi32>], vector<16xf32>,
        %gather3A_200 = tpu.vector_load_idx %arg9[%and3A_198, %add3A_129] : memref<64x128xf32, #tpu.memory_space<vmem>>[vector<16xi32>, vector<16xi32>], vector<16xf32>,
        %gather3A_201 = tpu.vector_load_idx %arg10[%add3A_129, %and3A_198] : memref<128x128xf32, #tpu.memory_space<vmem>>[vector<16xi32>, vector<16xi32>], vector<16xf32>,
        %mul3A_202 = arith.mulf %gather3A_199, %gather3A_201 : vector<16xf32>
        %mul3A_203 = arith.mulf %mul3A_202, %gather3A_200 : vector<16xf32>
        %add3A_204 = arith.addf %add3A_191, %mul3A_203 : vector<16xf32>
        %scan3A_205 = arith.constant 5 : i32
        %scan3A_206 = arith.addi %scan3A_142, %scan3A_205 : i32
        %add3A_207 = vector.broadcast %scan3A_206 : i32 to vector<16xi32>
        %add3A_208 = arith.addi %iota3A, %add3A_207 : vector<16xi32>
        %and3A_209 = arith.constant 63 : i32
        %and3A_210 = vector.broadcast %and3A_209 : i32 to vector<16xi32>
        %and3A_211 = arith.andi %add3A_208, %and3A_210 : vector<16xi32>
        %gather3A_212 = tpu.vector_load_idx %arg8[%and3A_211, %add3A_129] : memref<64x128xf32, #tpu.memory_space<vmem>>[vector<16xi32>, vector<16xi32>], vector<16xf32>,
        %gather3A_213 = tpu.vector_load_idx %arg9[%and3A_211, %add3A_129] : memref<64x128xf32, #tpu.memory_space<vmem>>[vector<16xi32>, vector<16xi32>], vector<16xf32>,
        %gather3A_214 = tpu.vector_load_idx %arg10[%add3A_129, %and3A_211] : memref<128x128xf32, #tpu.memory_space<vmem>>[vector<16xi32>, vector<16xi32>], vector<16xf32>,
        %mul3A_215 = arith.mulf %gather3A_212, %gather3A_214 : vector<16xf32>
        %mul3A_216 = arith.mulf %mul3A_215, %gather3A_213 : vector<16xf32>
        %add3A_217 = arith.addf %add3A_204, %mul3A_216 : vector<16xf32>
        %scan3A_218 = arith.constant 6 : i32
        %scan3A_219 = arith.addi %scan3A_142, %scan3A_218 : i32
        %add3A_220 = vector.broadcast %scan3A_219 : i32 to vector<16xi32>
        %add3A_221 = arith.addi %iota3A, %add3A_220 : vector<16xi32>
        %and3A_222 = arith.constant 63 : i32
        %and3A_223 = vector.broadcast %and3A_222 : i32 to vector<16xi32>
        %and3A_224 = arith.andi %add3A_221, %and3A_223 : vector<16xi32>
        %gather3A_225 = tpu.vector_load_idx %arg8[%and3A_224, %add3A_129] : memref<64x128xf32, #tpu.memory_space<vmem>>[vector<16xi32>, vector<16xi32>], vector<16xf32>,
        %gather3A_226 = tpu.vector_load_idx %arg9[%and3A_224, %add3A_129] : memref<64x128xf32, #tpu.memory_space<vmem>>[vector<16xi32>, vector<16xi32>], vector<16xf32>,
        %gather3A_227 = tpu.vector_load_idx %arg10[%add3A_129, %and3A_224] : memref<128x128xf32, #tpu.memory_space<vmem>>[vector<16xi32>, vector<16xi32>], vector<16xf32>,
        %mul3A_228 = arith.mulf %gather3A_225, %gather3A_227 : vector<16xf32>
        %mul3A_229 = arith.mulf %mul3A_228, %gather3A_226 : vector<16xf32>
        %add3A_230 = arith.addf %add3A_217, %mul3A_229 : vector<16xf32>
        %scan3A_231 = arith.constant 7 : i32
        %scan3A_232 = arith.addi %scan3A_142, %scan3A_231 : i32
        %add3A_233 = vector.broadcast %scan3A_232 : i32 to vector<16xi32>
        %add3A_234 = arith.addi %iota3A, %add3A_233 : vector<16xi32>
        %and3A_235 = arith.constant 63 : i32
        %and3A_236 = vector.broadcast %and3A_235 : i32 to vector<16xi32>
        %and3A_237 = arith.andi %add3A_234, %and3A_236 : vector<16xi32>
        %gather3A_238 = tpu.vector_load_idx %arg8[%and3A_237, %add3A_129] : memref<64x128xf32, #tpu.memory_space<vmem>>[vector<16xi32>, vector<16xi32>], vector<16xf32>,
        %gather3A_239 = tpu.vector_load_idx %arg9[%and3A_237, %add3A_129] : memref<64x128xf32, #tpu.memory_space<vmem>>[vector<16xi32>, vector<16xi32>], vector<16xf32>,
        %gather3A_240 = tpu.vector_load_idx %arg10[%add3A_129, %and3A_237] : memref<128x128xf32, #tpu.memory_space<vmem>>[vector<16xi32>, vector<16xi32>], vector<16xf32>,
        %mul3A_241 = arith.mulf %gather3A_238, %gather3A_240 : vector<16xf32>
        %mul3A_242 = arith.mulf %mul3A_241, %gather3A_239 : vector<16xf32>
        %add3A_243 = arith.addf %add3A_230, %mul3A_242 : vector<16xf32>
        scf.yield %add3A_243 : vector<16xf32>
      }
      %scan3A_136 = arith.constant 64 : i32
      %mul3A_137 = arith.constant 16 : i32
      %mul3A_138 = arith.muli %scan3A_125, %mul3A_137 : i32
      %add3A_139 = arith.constant 256 : i32
      %add3A_140 = arith.addi %add3A_139, %mul3A_138 : i32
      %swap3A = arith.index_cast %add3A_140 : i32 to index
      %swap3A_141 = tpu.vector_load %arg21[%swap3A] {strides = array<i32>} : memref<512xf32, #tpu.memory_space<vmem>>, vector<16xf32>,
      tpu.vector_store %arg21[%swap3A], %scan3A_135 {strides = array<i32>} : memref<512xf32, #tpu.memory_space<vmem>>, vector<16xf32>,
    }
    %scan3A_107 = arith.constant 8 : i32
    %dma_wait3A_108 = arith.constant 0 : i32
    %dma_wait3A_109 = arith.constant 0 : i32
    %dma_wait3A_110 = tpu.memref_slice %arg22[%dma_wait3A_108, %dma_wait3A_109] : memref<1000x128xf32, #tpu.memory_space<vmem_shared>> -> memref<1000x128xf32, #tpu.memory_space<vmem_shared>>
    tpu.wait_indirect_dma semaphore(%arg20 : memref<!tpu.dma_semaphore, #tpu.memory_space<semaphore_mem>>) src(%dma_wait3A_110 : memref<1000x128xf32, #tpu.memory_space<vmem_shared>>) dst(%arg17 : memref<128x128xf32, #tpu.memory_space<vmem>>)
    %dma_wait3A_111 = arith.constant 0 : i32
    %dma_wait3A_112 = tpu.memref_slice %arg2[%dma_wait3A_111, %multiple_of3A_90] : memref<64x16384xf32, #tpu.memory_space<hbm>> -> memref<64x128xf32, #tpu.memory_space<hbm>>
    %dma_wait3A_113 = arith.constant 0 : i32
    %dma_wait3A_114 = tpu.memref_slice %arg2[%dma_wait3A_113, %multiple_of3A_90] : memref<64x16384xf32, #tpu.memory_space<hbm>> -> memref<64x128xf32, #tpu.memory_space<hbm>>
    tpu.wait_dma2 semaphore(%arg18 : memref<!tpu.dma_semaphore, #tpu.memory_space<semaphore_mem>>) src(%dma_wait3A_114 : memref<64x128xf32, #tpu.memory_space<hbm>>) dst(%arg15 : memref<64x128xf32, #tpu.memory_space<vmem>>)
    %dma_wait3A_115 = arith.constant 0 : i32
    %dma_wait3A_116 = tpu.memref_slice %arg4[%dma_wait3A_115, %multiple_of3A_90] : memref<64x16384xf32, #tpu.memory_space<hbm>> -> memref<64x128xf32, #tpu.memory_space<hbm>>
    %dma_wait3A_117 = arith.constant 0 : i32
    %dma_wait3A_118 = tpu.memref_slice %arg4[%dma_wait3A_117, %multiple_of3A_90] : memref<64x16384xf32, #tpu.memory_space<hbm>> -> memref<64x128xf32, #tpu.memory_space<hbm>>
    tpu.wait_dma2 semaphore(%arg19 : memref<!tpu.dma_semaphore, #tpu.memory_space<semaphore_mem>>) src(%dma_wait3A_118 : memref<64x128xf32, #tpu.memory_space<hbm>>) dst(%arg16 : memref<64x128xf32, #tpu.memory_space<vmem>>)
    %scan3A_119 = arith.constant 0 : i32
    %scan3A_120 = arith.constant 0 : i32
    %scan3A_121 = arith.constant 8 : i32
    %scan3A_122 = arith.addi %scan3A_120, %scan3A_121 : i32
    %scan3A_123 = arith.constant 1 : i32
    scf.for %scan3A_125 = %scan3A_120 to %scan3A_122 step %scan3A_123  : i32 {
      %mul3A_126 = arith.constant 16 : i32
      %mul3A_127 = arith.muli %scan3A_125, %mul3A_126 : i32
      %add3A_128 = vector.broadcast %mul3A_127 : i32 to vector<16xi32>
      %add3A_129 = arith.addi %iota3A, %add3A_128 : vector<16xi32>
      %broadcast_in_dim3A = arith.constant 0.000000e+00 : f32
      %broadcast_in_dim3A_130 = vector.broadcast %broadcast_in_dim3A : f32 to vector<16xf32>
      %scan3A_131 = arith.constant 0 : i32
      %scan3A_132 = arith.constant 64 : i32
      %scan3A_133 = arith.addi %scan3A_131, %scan3A_132 : i32
      %scan3A_134 = arith.constant 8 : i32
      %scan3A_135 = scf.for %scan3A_142 = %scan3A_131 to %scan3A_133 step %scan3A_134 iter_args(%scan3A_143 = %broadcast_in_dim3A_130) -> (vector<16xf32>)  : i32 {
        %add3A_144 = vector.broadcast %scan3A_142 : i32 to vector<16xi32>
        %add3A_145 = arith.addi %iota3A, %add3A_144 : vector<16xi32>
        %and3A = arith.constant 63 : i32
        %and3A_146 = vector.broadcast %and3A : i32 to vector<16xi32>
        %and3A_147 = arith.andi %add3A_145, %and3A_146 : vector<16xi32>
        %gather3A = tpu.vector_load_idx %arg15[%and3A_147, %add3A_129] : memref<64x128xf32, #tpu.memory_space<vmem>>[vector<16xi32>, vector<16xi32>], vector<16xf32>,
        %gather3A_148 = tpu.vector_load_idx %arg16[%and3A_147, %add3A_129] : memref<64x128xf32, #tpu.memory_space<vmem>>[vector<16xi32>, vector<16xi32>], vector<16xf32>,
        %gather3A_149 = tpu.vector_load_idx %arg17[%add3A_129, %and3A_147] : memref<128x128xf32, #tpu.memory_space<vmem>>[vector<16xi32>, vector<16xi32>], vector<16xf32>,
        %mul3A_150 = arith.mulf %gather3A, %gather3A_149 : vector<16xf32>
        %mul3A_151 = arith.mulf %mul3A_150, %gather3A_148 : vector<16xf32>
        %add3A_152 = arith.addf %scan3A_143, %mul3A_151 : vector<16xf32>
        %scan3A_153 = arith.constant 1 : i32
        %scan3A_154 = arith.addi %scan3A_142, %scan3A_153 : i32
        %add3A_155 = vector.broadcast %scan3A_154 : i32 to vector<16xi32>
        %add3A_156 = arith.addi %iota3A, %add3A_155 : vector<16xi32>
        %and3A_157 = arith.constant 63 : i32
        %and3A_158 = vector.broadcast %and3A_157 : i32 to vector<16xi32>
        %and3A_159 = arith.andi %add3A_156, %and3A_158 : vector<16xi32>
        %gather3A_160 = tpu.vector_load_idx %arg15[%and3A_159, %add3A_129] : memref<64x128xf32, #tpu.memory_space<vmem>>[vector<16xi32>, vector<16xi32>], vector<16xf32>,
        %gather3A_161 = tpu.vector_load_idx %arg16[%and3A_159, %add3A_129] : memref<64x128xf32, #tpu.memory_space<vmem>>[vector<16xi32>, vector<16xi32>], vector<16xf32>,
        %gather3A_162 = tpu.vector_load_idx %arg17[%add3A_129, %and3A_159] : memref<128x128xf32, #tpu.memory_space<vmem>>[vector<16xi32>, vector<16xi32>], vector<16xf32>,
        %mul3A_163 = arith.mulf %gather3A_160, %gather3A_162 : vector<16xf32>
        %mul3A_164 = arith.mulf %mul3A_163, %gather3A_161 : vector<16xf32>
        %add3A_165 = arith.addf %add3A_152, %mul3A_164 : vector<16xf32>
        %scan3A_166 = arith.constant 2 : i32
        %scan3A_167 = arith.addi %scan3A_142, %scan3A_166 : i32
        %add3A_168 = vector.broadcast %scan3A_167 : i32 to vector<16xi32>
        %add3A_169 = arith.addi %iota3A, %add3A_168 : vector<16xi32>
        %and3A_170 = arith.constant 63 : i32
        %and3A_171 = vector.broadcast %and3A_170 : i32 to vector<16xi32>
        %and3A_172 = arith.andi %add3A_169, %and3A_171 : vector<16xi32>
        %gather3A_173 = tpu.vector_load_idx %arg15[%and3A_172, %add3A_129] : memref<64x128xf32, #tpu.memory_space<vmem>>[vector<16xi32>, vector<16xi32>], vector<16xf32>,
        %gather3A_174 = tpu.vector_load_idx %arg16[%and3A_172, %add3A_129] : memref<64x128xf32, #tpu.memory_space<vmem>>[vector<16xi32>, vector<16xi32>], vector<16xf32>,
        %gather3A_175 = tpu.vector_load_idx %arg17[%add3A_129, %and3A_172] : memref<128x128xf32, #tpu.memory_space<vmem>>[vector<16xi32>, vector<16xi32>], vector<16xf32>,
        %mul3A_176 = arith.mulf %gather3A_173, %gather3A_175 : vector<16xf32>
        %mul3A_177 = arith.mulf %mul3A_176, %gather3A_174 : vector<16xf32>
        %add3A_178 = arith.addf %add3A_165, %mul3A_177 : vector<16xf32>
        %scan3A_179 = arith.constant 3 : i32
        %scan3A_180 = arith.addi %scan3A_142, %scan3A_179 : i32
        %add3A_181 = vector.broadcast %scan3A_180 : i32 to vector<16xi32>
        %add3A_182 = arith.addi %iota3A, %add3A_181 : vector<16xi32>
        %and3A_183 = arith.constant 63 : i32
        %and3A_184 = vector.broadcast %and3A_183 : i32 to vector<16xi32>
        %and3A_185 = arith.andi %add3A_182, %and3A_184 : vector<16xi32>
        %gather3A_186 = tpu.vector_load_idx %arg15[%and3A_185, %add3A_129] : memref<64x128xf32, #tpu.memory_space<vmem>>[vector<16xi32>, vector<16xi32>], vector<16xf32>,
        %gather3A_187 = tpu.vector_load_idx %arg16[%and3A_185, %add3A_129] : memref<64x128xf32, #tpu.memory_space<vmem>>[vector<16xi32>, vector<16xi32>], vector<16xf32>,
        %gather3A_188 = tpu.vector_load_idx %arg17[%add3A_129, %and3A_185] : memref<128x128xf32, #tpu.memory_space<vmem>>[vector<16xi32>, vector<16xi32>], vector<16xf32>,
        %mul3A_189 = arith.mulf %gather3A_186, %gather3A_188 : vector<16xf32>
        %mul3A_190 = arith.mulf %mul3A_189, %gather3A_187 : vector<16xf32>
        %add3A_191 = arith.addf %add3A_178, %mul3A_190 : vector<16xf32>
        %scan3A_192 = arith.constant 4 : i32
        %scan3A_193 = arith.addi %scan3A_142, %scan3A_192 : i32
        %add3A_194 = vector.broadcast %scan3A_193 : i32 to vector<16xi32>
        %add3A_195 = arith.addi %iota3A, %add3A_194 : vector<16xi32>
        %and3A_196 = arith.constant 63 : i32
        %and3A_197 = vector.broadcast %and3A_196 : i32 to vector<16xi32>
        %and3A_198 = arith.andi %add3A_195, %and3A_197 : vector<16xi32>
        %gather3A_199 = tpu.vector_load_idx %arg15[%and3A_198, %add3A_129] : memref<64x128xf32, #tpu.memory_space<vmem>>[vector<16xi32>, vector<16xi32>], vector<16xf32>,
        %gather3A_200 = tpu.vector_load_idx %arg16[%and3A_198, %add3A_129] : memref<64x128xf32, #tpu.memory_space<vmem>>[vector<16xi32>, vector<16xi32>], vector<16xf32>,
        %gather3A_201 = tpu.vector_load_idx %arg17[%add3A_129, %and3A_198] : memref<128x128xf32, #tpu.memory_space<vmem>>[vector<16xi32>, vector<16xi32>], vector<16xf32>,
        %mul3A_202 = arith.mulf %gather3A_199, %gather3A_201 : vector<16xf32>
        %mul3A_203 = arith.mulf %mul3A_202, %gather3A_200 : vector<16xf32>
        %add3A_204 = arith.addf %add3A_191, %mul3A_203 : vector<16xf32>
        %scan3A_205 = arith.constant 5 : i32
        %scan3A_206 = arith.addi %scan3A_142, %scan3A_205 : i32
        %add3A_207 = vector.broadcast %scan3A_206 : i32 to vector<16xi32>
        %add3A_208 = arith.addi %iota3A, %add3A_207 : vector<16xi32>
        %and3A_209 = arith.constant 63 : i32
        %and3A_210 = vector.broadcast %and3A_209 : i32 to vector<16xi32>
        %and3A_211 = arith.andi %add3A_208, %and3A_210 : vector<16xi32>
        %gather3A_212 = tpu.vector_load_idx %arg15[%and3A_211, %add3A_129] : memref<64x128xf32, #tpu.memory_space<vmem>>[vector<16xi32>, vector<16xi32>], vector<16xf32>,
        %gather3A_213 = tpu.vector_load_idx %arg16[%and3A_211, %add3A_129] : memref<64x128xf32, #tpu.memory_space<vmem>>[vector<16xi32>, vector<16xi32>], vector<16xf32>,
        %gather3A_214 = tpu.vector_load_idx %arg17[%add3A_129, %and3A_211] : memref<128x128xf32, #tpu.memory_space<vmem>>[vector<16xi32>, vector<16xi32>], vector<16xf32>,
        %mul3A_215 = arith.mulf %gather3A_212, %gather3A_214 : vector<16xf32>
        %mul3A_216 = arith.mulf %mul3A_215, %gather3A_213 : vector<16xf32>
        %add3A_217 = arith.addf %add3A_204, %mul3A_216 : vector<16xf32>
        %scan3A_218 = arith.constant 6 : i32
        %scan3A_219 = arith.addi %scan3A_142, %scan3A_218 : i32
        %add3A_220 = vector.broadcast %scan3A_219 : i32 to vector<16xi32>
        %add3A_221 = arith.addi %iota3A, %add3A_220 : vector<16xi32>
        %and3A_222 = arith.constant 63 : i32
        %and3A_223 = vector.broadcast %and3A_222 : i32 to vector<16xi32>
        %and3A_224 = arith.andi %add3A_221, %and3A_223 : vector<16xi32>
        %gather3A_225 = tpu.vector_load_idx %arg15[%and3A_224, %add3A_129] : memref<64x128xf32, #tpu.memory_space<vmem>>[vector<16xi32>, vector<16xi32>], vector<16xf32>,
        %gather3A_226 = tpu.vector_load_idx %arg16[%and3A_224, %add3A_129] : memref<64x128xf32, #tpu.memory_space<vmem>>[vector<16xi32>, vector<16xi32>], vector<16xf32>,
        %gather3A_227 = tpu.vector_load_idx %arg17[%add3A_129, %and3A_224] : memref<128x128xf32, #tpu.memory_space<vmem>>[vector<16xi32>, vector<16xi32>], vector<16xf32>,
        %mul3A_228 = arith.mulf %gather3A_225, %gather3A_227 : vector<16xf32>
        %mul3A_229 = arith.mulf %mul3A_228, %gather3A_226 : vector<16xf32>
        %add3A_230 = arith.addf %add3A_217, %mul3A_229 : vector<16xf32>
        %scan3A_231 = arith.constant 7 : i32
        %scan3A_232 = arith.addi %scan3A_142, %scan3A_231 : i32
        %add3A_233 = vector.broadcast %scan3A_232 : i32 to vector<16xi32>
        %add3A_234 = arith.addi %iota3A, %add3A_233 : vector<16xi32>
        %and3A_235 = arith.constant 63 : i32
        %and3A_236 = vector.broadcast %and3A_235 : i32 to vector<16xi32>
        %and3A_237 = arith.andi %add3A_234, %and3A_236 : vector<16xi32>
        %gather3A_238 = tpu.vector_load_idx %arg15[%and3A_237, %add3A_129] : memref<64x128xf32, #tpu.memory_space<vmem>>[vector<16xi32>, vector<16xi32>], vector<16xf32>,
        %gather3A_239 = tpu.vector_load_idx %arg16[%and3A_237, %add3A_129] : memref<64x128xf32, #tpu.memory_space<vmem>>[vector<16xi32>, vector<16xi32>], vector<16xf32>,
        %gather3A_240 = tpu.vector_load_idx %arg17[%add3A_129, %and3A_237] : memref<128x128xf32, #tpu.memory_space<vmem>>[vector<16xi32>, vector<16xi32>], vector<16xf32>,
        %mul3A_241 = arith.mulf %gather3A_238, %gather3A_240 : vector<16xf32>
        %mul3A_242 = arith.mulf %mul3A_241, %gather3A_239 : vector<16xf32>
        %add3A_243 = arith.addf %add3A_230, %mul3A_242 : vector<16xf32>
        scf.yield %add3A_243 : vector<16xf32>
      }
      %scan3A_136 = arith.constant 64 : i32
      %mul3A_137 = arith.constant 16 : i32
      %mul3A_138 = arith.muli %scan3A_125, %mul3A_137 : i32
      %add3A_139 = arith.constant 384 : i32
      %add3A_140 = arith.addi %add3A_139, %mul3A_138 : i32
      %swap3A = arith.index_cast %add3A_140 : i32 to index
      %swap3A_141 = tpu.vector_load %arg21[%swap3A] {strides = array<i32>} : memref<512xf32, #tpu.memory_space<vmem>>, vector<16xf32>,
      tpu.vector_store %arg21[%swap3A], %scan3A_135 {strides = array<i32>} : memref<512xf32, #tpu.memory_space<vmem>>, vector<16xf32>,
    }
    %scan3A_124 = arith.constant 8 : i32
    "tpu.region"() ({
      %run_scoped3A = tpu.sem_alloc : memref<!tpu.dma_semaphore, #tpu.memory_space<semaphore_mem>>
      %dma_start3A_125 = tpu.memref_slice %arg6[%mul3A_2] : memref<16384xf32, #tpu.memory_space<hbm>> -> memref<512xf32, #tpu.memory_space<hbm>>
      %dma_start3A_126 = tpu.memref_slice %arg6[%mul3A_2] : memref<16384xf32, #tpu.memory_space<hbm>> -> memref<512xf32, #tpu.memory_space<hbm>>
      tpu.enqueue_dma source(%arg21 : memref<512xf32, #tpu.memory_space<vmem>>) target(%dma_start3A_126 : memref<512xf32, #tpu.memory_space<hbm>>) target_semaphore(%run_scoped3A : memref<!tpu.dma_semaphore, #tpu.memory_space<semaphore_mem>>)
      %dma_wait3A_127 = tpu.memref_slice %arg6[%mul3A_2] : memref<16384xf32, #tpu.memory_space<hbm>> -> memref<512xf32, #tpu.memory_space<hbm>>
      %dma_wait3A_128 = tpu.memref_slice %arg6[%mul3A_2] : memref<16384xf32, #tpu.memory_space<hbm>> -> memref<512xf32, #tpu.memory_space<hbm>>
      tpu.wait_dma2 semaphore(%run_scoped3A : memref<!tpu.dma_semaphore, #tpu.memory_space<semaphore_mem>>) src(%arg21 : memref<512xf32, #tpu.memory_space<vmem>>) dst(%dma_wait3A_128 : memref<512xf32, #tpu.memory_space<hbm>>)
      tpu.yield
    }) : () -> ()
    return
  }
}

</mosaic_0001>

<sc_bundles>
// kernel: kernel.3.cloned.1.call-start
scs
__scs_entry_jumppad:
0x0: {  	(pc) =	sbr.rel $0x88, $3  }
0x1: {  	(tag) =	ssettag $0x0;
	lr =	simm.s32 $0x1  }
0x2: {  	[smem:$0x3F9D] =	sst lr;
	_ =	strace $0xD0000000  }
0x3: {  	_ = 	snop  }
0x4: {  	_ = 	snop  }
0x5: {  	_ = 	snop  }
0x6: {  	_ = 	snop  }
0x7: {  	_ = 	snop  }
__scs_overlays_trampoline_lowered:
0x8: {  	[smem:$0x3FAC] =	sst s0  }
0x9: {  	[smem:$0x3FAD] =	sst s1  }
0xa: {  	[smem:$0x3FAE] =	sst s2  }
0xb: {  	[smem:$0x3FAF] =	sst s3  }
0xc: {  	[smem:$0x3FB0] =	sst s4  }
0xd: {  	[smem:$0x3FB1] =	sst s5  }
0xe: {  	[smem:$0x3FB2] =	sst s6  }
0xf: {  	[smem:$0x3FB3] =	sst s7  }
0x10: {  	[smem:$0x3FB4] =	sst s8  }
0x11: {  	[smem:$0x3FB5] =	sst s9;
	s0 =	simm.s32 @!p0 $0x0  }
0x12: {  	s1 =	sld [smem:$0x3F9B];
	s0 =	simm.s32 @p0 $0x1  }
0x13: {  	[smem:$0x3FB6] =	sst s0;
	s0 =	simm.s32 @!p1 $0x0  }
0x14: {  	s2 =	sld [smem:$0x3F9A];
	s0 =	simm.s32 @p1 $0x1  }
0x15: {  	[smem:$0x3FB7] =	sst s0;
	s0 =	simm.s32 @!p2 $0x0  }
0x16: {  	s3 =	sld [smem:$0x3FDB];
	s0 =	simm.s32 @p2 $0x1  }
0x17: {  	s4 =	simm.s32 $0x1BF5;
	[smem:$0x3FB9] =	sst s0  }
0x18: {  	s0 =	sld [smem:$0x3F9C];
	_ =	swait.ge [sflag:s4], $0x0  }
0x19: {  	s7 =	sld [smem:$0x3F9D]  }
0x1a: {  	s8 =	sadd.s32 $0xFFFFE003, lr  }
0x1b: {  	s9 =	sadd.s32 $0xFFFFFEF7, lr;
	s5 =	simm.s32 $0xFFFFFFFF;
	p2 =	slt.u32 s8, $0xFFFFF086  }
0x1c: {  	p1 =	slt.u32 s9, $0xF7A;
	s5 =	simm.s32 @!p2 $0x0  }
0x1d: {  	s5 =	simm.s32 @p1 $0x1;
	p0 =	seq.s32 s7, s2  }
0x1e: {  	s7 =	smul.u32 @!p0 $0xF7A, s2;
	p2 =	seq.s32 @!p0 s5, $0x0  }
0x1f: {  	s9 =	smul.u32 $0xF7A, s1;
	s8 =	simm.s32 @!p0 $0x1BF5;
	p2 =	por !p2, p0  }
0x20: {  	[sflag:s8] =	ssyncset.s32 @!p0 $0xFFFFF086;
	s6 =	sadd.s32 @!p0 s3, s7;
	s7 =	simm.s32 @!p0 $0x108  }
0x21: {  	s3 =	sadd.s32 s3, s9;
	s6 =	sadd.s32 @!p0 $0x88, s6;
	s7 =	simm.s32 @p2 $0x1082  }
0x22: {  	[simem:s7], [sflag:s8] =	dma.local @!p0 [hbm:s6], $0xF7A  }
0x23: {  	s9 =	sor.u32 $0xD0000000, s2;
	s6 =	simm.s32 $0x108;
	_ =	swait.ge @!p0 [sflag:s8], $0x0  }
0x24: {  	s3 =	sadd.s32 $0x88, s3;
	s6 =	simm.s32 @!p1 $0x1082;
	[sflag:s4] =	ssyncset.s32 $0xFFFFF086  }
0x25: {  	[simem:s6], [sflag:s4] =	dma.local [hbm:s3], $0xF7A  }
0x26: {  	[smem:$0x3F9D] =	sst s1;
	(tag) =	ssettag s2;
	_ =	strace s9  }
0x27: {  	s1 =	sld [smem:$0x3FAD]  }
0x28: {  	s2 =	sld [smem:$0x3FAE]  }
0x29: {  	s4 =	sld [smem:$0x3FB0]  }
0x2a: {  	p0 =	seq.s32 s5, $0x0;
	s5 =	sld [smem:$0x3FB1]  }
0x2b: {  	s6 =	sld [smem:$0x3FB2]  }
0x2c: {  	s7 =	sld [smem:$0x3FB3]  }
0x2d: {  	s3 =	simm.s32 $0x108;
	s8 =	sld [smem:$0x3FB4]  }
0x2e: {  	s3 =	simm.s32 @!p0 $0x1082;
	s9 =	sld [smem:$0x3FB5]  }
0x2f: {  	lr =	sadd.s32 s0, s3;
	s0 =	sld [smem:$0x3FAC]  }
0x30: {  	s3 =	sld [smem:$0x3FAF]  }
0x31: {  	[smem:$0x3FB8] =	sst s10  }
0x32: {  	s10 =	sld [smem:$0x3FB6];
	_ =	sdelay $0x3  }
0x33: {  	p0 =	seq.s32 s10, $0x1;
	s10 =	sld [smem:$0x3FB8];
	_ =	sdelay $0x3  }
0x34: {  	[smem:$0x3FB8] =	sst s10  }
0x35: {  	s10 =	sld [smem:$0x3FB7];
	_ =	sdelay $0x3  }
0x36: {  	p1 =	seq.s32 s10, $0x1;
	s10 =	sld [smem:$0x3FB8];
	_ =	sdelay $0x3  }
0x37: {  	[smem:$0x3FB8] =	sst s10  }
0x38: {  	s10 =	sld [smem:$0x3FB9]  }
0x39: {  	_ = 	snop;
	(pc) =	sbr.ind lr, $3  }
0x3a: {  	_ = 	snop  }
0x3b: {  	_ = 	snop  }
0x3c: {  	p2 =	seq.s32 s10, $0x1;
	s10 =	sld [smem:$0x3FB8]  }
0x3d: {  	_ =	shalt  }
0x3e: {  	_ =	shalt  }
0x3f: {  	_ =	shalt  }
0x40: {  	_ =	shalt  }
0x41: {  	_ =	shalt  }
0x42: {  	_ =	shalt  }
0x43: {  	_ =	shalt  }
0x44: {  	_ =	shalt  }
0x45: {  	_ =	shalt  }
0x46: {  	_ =	shalt  }
0x47: {  	_ =	shalt  }
0x48: {  	_ =	shalt  }
0x49: {  	_ =	shalt  }
0x4a: {  	_ =	shalt  }
0x4b: {  	_ =	shalt  }
0x4c: {  	_ =	shalt  }
0x4d: {  	_ =	shalt  }
0x4e: {  	_ =	shalt  }
0x4f: {  	_ =	shalt  }
0x50: {  	_ =	shalt  }
0x51: {  	_ =	shalt  }
0x52: {  	_ =	shalt  }
0x53: {  	_ =	shalt  }
0x54: {  	_ =	shalt  }
0x55: {  	_ =	shalt  }
0x56: {  	_ =	shalt  }
0x57: {  	_ =	shalt  }
0x58: {  	_ =	shalt  }
0x59: {  	_ =	shalt  }
0x5a: {  	_ =	shalt  }
0x5b: {  	_ =	shalt  }
0x5c: {  	_ =	shalt  }
0x5d: {  	_ =	shalt  }
0x5e: {  	_ =	shalt  }
0x5f: {  	_ =	shalt  }
0x60: {  	_ =	shalt  }
0x61: {  	_ =	shalt  }
0x62: {  	_ =	shalt  }
0x63: {  	_ =	shalt  }
0x64: {  	_ =	shalt  }
0x65: {  	_ =	shalt  }
0x66: {  	_ =	shalt  }
0x67: {  	_ =	shalt  }
0x68: {  	_ =	shalt  }
0x69: {  	_ =	shalt  }
0x6a: {  	_ =	shalt  }
0x6b: {  	_ =	shalt  }
0x6c: {  	_ =	shalt  }
0x6d: {  	_ =	shalt  }
0x6e: {  	_ =	shalt  }
0x6f: {  	_ =	shalt  }
0x70: {  	_ =	shalt  }
0x71: {  	_ =	shalt  }
0x72: {  	_ =	shalt  }
0x73: {  	_ =	shalt  }
0x74: {  	_ =	shalt  }
0x75: {  	_ =	shalt  }
0x76: {  	_ =	shalt  }
0x77: {  	_ =	shalt  }
0x78: {  	_ =	shalt  }
0x79: {  	_ =	shalt  }
0x7a: {  	_ =	shalt  }
0x7b: {  	_ =	shalt  }
0x7c: {  	_ =	shalt  }
0x7d: {  	_ =	shalt  }
0x7e: {  	_ =	shalt  }
0x7f: {  	_ =	shalt  }
0x80: {  	_ =	shalt  }
0x81: {  	_ =	shalt  }
0x82: {  	_ =	shalt  }
0x83: {  	_ =	shalt  }
0x84: {  	_ =	shalt  }
0x85: {  	_ =	shalt  }
0x86: {  	_ =	shalt  }
0x87: {  	_ =	shalt  }
.Lfunc_end0:
.L_simem_size_0:
called_computation_lowered:
.L_overlay_start_0:
0x88: {  	s2 =	sld [smem:$0x3FD9]  }
0x89: {  	s3 =	sld [smem:$0x3FFE];
	_ =	sdelay $0x1  }
0x8a: {  	s1 =	srdreg.scid  }
0x8b: {  	s0 =	sand.u32 $0x1, s1  }
0x8c: {  	s17 =	sshll.u32 s0, $0xA;
	s2 =	sadd.s32 s3, s2  }
0x8d: {  	s2 =	sadd.s32 s2, s17  }
0x8e: {  	[smem:$0x3FC4] =	sst s2  }
0x8f: {  	_ = 	snop  }
0x90: {  	s2 =	sld [smem:$0x3FC9]  }
0x91: {  	s18 =	sld [smem:$0x3FC8]  }
0x92: {  	s4 =	sld [smem:$0x3FC7]  }
0x93: {  	s5 =	sld [smem:$0x3FD0];
	(tm) =	ssettm $0x1  }
0x94: {  	s6 =	sld [smem:$0x3FFB];
	_ =	sdelay $0x3  }
0x95: {  	_ =	strace s6  }
0x96: {  	s6 =	sld [smem:$0x3FFC];
	_ =	sdelay $0x3  }
0x97: {  	_ =	strace s6  }
0x98: {  	s6 =	sld [smem:$0x3FFD];
	_ =	sdelay $0x3  }
0x99: {  	_ =	strace s6  }
0x9a: {  	_ =	strace $0x8FFFFFFF  }
0x9b: {  	s19 =	sld [smem:$0x3FDB];
	_ =	sdelay $0x1  }
0x9c: {  	s7 =	simm.s32 $_scs_section_size  }
0x9d: {  	s8 =	simm.s32 $_size__tile_overlayer_lowered;
	s9 =	simm.s32 $_tile_overlayer_lowered  }
0x9e: {  	s22 =	simm.s32 $0x1BFF;
	s21 =	sshll.u32 s9, $0x1;
	s6 =	sadd.s32 s7, s19  }
0x9f: {  	s10 =	simm.s32 $0x0;
	s20 =	sshll.u32 s8, $0x1;
	s8 =	sadd.s32 s21, s6  }
0xa0: {  	[timem:s10], [sflag:s22] =	dma.local [hbm:s8], s20  }
0xa1: {  	_ =	swait.ge [sflag:s22], s20  }
0xa2: {  	s7 =	ssub.s32 $0x0, s20;
	[sflag:s22] =	ssyncset.done $0x0  }
0xa3: {  	[sflag:s22] =	ssyncadd.s32 s7;
	_ =	sdelay $0x1  }
0xa4: {  	s23 =	simm.s32 $0x1B8B  }
0xa5: {  	_ =	swait.ge [sflag:s23], $0x1  }
0xa6: {  	[sflag:s23] =	ssyncset.done $0x0  }
0xa7: {  	s25 =	simm.s32 $0x1B8E;
	s24 =	sld [smem:$0x3FFE];
	[sflag:s23] =	ssyncadd.s32 $0xFFFFFFFF  }
0xa8: {  	s26 =	simm.s32 $execute0_lowered;
	[smem:$0x3FD2] =	sst s25  }
0xa9: {  	s8 =	sshll.u32 s26, $0x1;
	_ =	strace $0x80000046;
	[dreg:$0x1] =	wrdreg $0xFFFFFFFF  }
0xaa: {  	s28 =	simm.s32 $_size_execute0_lowered;
	s6 =	sadd.s32 s6, s8;
	[dreg:$0x0] =	wrdreg $0x0  }
0xab: {  	s8 =	sshll.u32 s28, $0x1;
	[dreg:$0x2] =	wrdreg s6  }
0xac: {  	[dreg:$0x3] =	wrdreg s8  }
0xad: {  	[dreg:$0x4] =	wrdreg $0xC0  }
0xae: {  	_ =	task [dreg:s10], $0x5FFFF  }
0xaf: {  	[dreg:$0x1] =	wrdreg $0xFFFFFFFF  }
0xb0: {  	[dreg:$0x0] =	wrdreg $0x60  }
0xb1: {  	[dreg:$0x2] =	wrdreg s2  }
0xb2: {  	[dreg:$0x3] =	wrdreg s18  }
0xb3: {  	[dreg:$0x4] =	wrdreg s4  }
0xb4: {  	[dreg:$0x5] =	wrdreg s24  }
0xb5: {  	[dreg:$0x6] =	wrdreg s5  }
0xb6: {  	[dreg:$0x7] =	wrdreg $0x103000  }
0xb7: {  	[dreg:$0x8] =	wrdreg $0x9  }
0xb8: {  	_ =	task.clear_ibuf [dreg:s10], $0x9FFFF;
	_ =	strace $0x90000046  }
0xb9: {  	s29 =	simm.s32 $0x9;
	_ =	strace $0x80000048  }
0xba: {  	_ =	swait.ge [sflag:s29], $0x1  }
0xbb: {  	[sflag:s29] =	ssyncadd.s32 $0xFFFFFFFF  }
0xbc: {  	_ =	strace $0x90000048  }
0xbd: {  	_ =	sfence  }
0xbe: {  	s30 =	sld [smem:$0x0];
	_ =	sdelay $0x2  }
0xbf: {  	s31 =	sshll.u32 s1, $0xD;
	s1 =	sshrl.u32 s1, $0x2  }
0xc0: {  	s3 =	sand.u32 $0x4000, s31;
	s1 =	sadd.s32 s1, s30  }
0xc1: {  	s0 =	sor.u32 s3, s0;
	s1 =	sshll.u32 s1, $0x11  }
0xc2: {  	s0 =	sor.u32 s1, s0  }
0xc3: {  	s0 =	sadd.s32 $0x8F2B, s0  }
0xc4: {  	[sflag:s0] =	ssyncadd.remote.s32 $0x1  }
0xc5: {  	_ =	sfence.sel $0xFFFF  }
0xc6: {  	[dreg:$0x0] =	wrdreg $0xFFFFFFFF;
	(pc) =	sbr.abs _section_cstart, $3  }
0xc7: {  	[dreg:$0x1] =	wrdreg $0xFFFFFFFF  }
0xc8: {  	_ =	task.clear_ibuf [dreg:s10], $0x2FFFF;
	_ =	strace $0x9FFFFFFF  }
0xc9: {  	(tm) =	ssettm $0x7FFFFFFF  }
tec
execute0_lowered:
.L_overlay_start_1:
0x0: {  	(tag) =	ssettag $0x1  }
0x1: {  	s0 =	rddreg [dreg:$0x0]  }
0x2: {  	s3 =	rddreg [dreg:$0x1]  }
0x3: {  	s4 =	rddreg [dreg:$0x2]  }
0x4: {  	s5 =	rddreg [dreg:$0x3]  }
0x5: {  	s6 =	rddreg [dreg:$0x4]  }
0x6: {  	s1 =	rddreg [dreg:$0x5];
	s2 =	simm.s32 $0x0  }
0x7: {  	s7 =	srdreg.scid;
	s8 =	stileid.u32;
	s28 =	simm.s32 $0x8080  }
0x8: {  	s29 =	simm.s32 $0xC100;
	s30 =	simm.s32 $0x8100;
	s31 =	simm.s32 $0xA100  }
0x9: {  	[smem:$0x7FF] =	sst s2;
	s7 =	sand.u32 $0x1, s7;
	s10 =	sshll.u32 s8, $0xA  }
0xa: {  	s5 =	sadd.s32 $0x400, s5;
	p0 =	sne.s32 s8, $0x0;
	s9 =	ssub.s32 $0x2, s7  }
0xb: {  	_ =	strace $0x80000047;
	s7 =	sshll.u32 s7, $0x9;
	s16 =	sshrl.u32 s9, $0x1  }
0xc: {  	[dreg:$0x7] =	wrdreg s5;
	s7 =	sor.u32 s7, s10;
	s5 =	ssub.s32 s9, s16  }
0xd: {  	s17 =	sshrl.u32 s7, $0x3;
	s12 =	sshrl.u32 s7, $0x7;
	s19 =	sadd.s32 s0, s7  }
0xe: {  	s7 =	sadd.s32 s4, s7;
	s18 =	sadd.s32 s3, s17;
	[dreg:$0x9] =	wrdreg s19  }
0xf: {  	s20 =	sor.u32 $0x1, s12;
	[dreg:$0xa] =	wrdreg s7;
	s23 =	sor.u32 $0x2, s12  }
0x10: {  	s13 =	sor.u32 $0x3, s12;
	s16 =	sadd.s32 s6, s17;
	s17 =	smax.u32 s5, $0x1  }
0x11: {  	s19 =	simm.s32 $0x80;
	s5 =	simm.s32 $0x0;
	[dreg:$0x8] =	wrdreg s18  }
0x12: {  	s21 =	sshll.u32 s20, $0x4;
	s10 =	sshll.u32 s20, $0x7;
	s24 =	sshll.u32 s23, $0x4  }
0x13: {  	s26 =	sshll.u32 s13, $0x4;
	s15 =	sshll.u32 s13, $0x7;
	s18 =	simm.s32 $0x7  }
0x14: {  	s20 =	simm.s32 $0x4080;
	s7 =	sadd.s32 s3, s21;
	s22 =	sadd.s32 s0, s10  }
0x15: {  	s10 =	sadd.s32 s4, s10;
	s14 =	sadd.s32 s0, s15;
	[dreg:$0xb] =	wrdreg s7  }
0x16: {  	s15 =	sadd.s32 s4, s15;
	s21 =	simm.s32 $0x400;
	[dreg:$0xc] =	wrdreg s22  }
0x17: {  	[dreg:$0xd] =	wrdreg s10;
	s7 =	sshll.u32 s23, $0x7;
	s10 =	sadd.s32 s3, s24  }
0x18: {  	s3 =	sadd.s32 s3, s26;
	s22 =	simm.s32 $0x20000;
	s23 =	simm.s32 $0x2080  }
0x19: {  	s24 =	simm.s32 $0x3;
	s26 =	simm.s32 $0x2;
	[dreg:$0xe] =	wrdreg s10  }
0x1a: {  	s25 =	sadd.s32 s0, s7;
	s7 =	sadd.s32 s4, s7;
	[dreg:$0x11] =	wrdreg s3  }
0x1b: {  	s0 =	simm.s32 $0x6;
	s3 =	simm.s32 $0x4;
	[dreg:$0xf] =	wrdreg s25  }
0x1c: {  	v0 =	vlaneseq.u32;
	s4 =	simm.s32 $0x5;
	[dreg:$0x10] =	wrdreg s7;
	s25 =	simm.s32 $0x1  }
.LBB2_1:
0x1d: {  	s6 =	sshrl.u32 @!p0 s1, $0x3;
	s7 =	simm.s32 @!p0 $0x1C07;
	s8 =	rddreg [dreg:$0x7]  }
0x1e: {  	[spmem:s6], [sflag:s7] =	dma.local @!p0 [hbm:s8], $0x3E80  }
0x1f: {  	s6 =	simm.s32 @!p0 $0x7  }
0x20: {  	_ =	swait.ge @!p0 [sflag:s6], $0x3E80  }
0x21: {  	[sflag:s6] =	ssyncset.done @!p0 $0x0  }
0x22: {  	[sflag:s6] =	ssyncadd.s32 @!p0 $0xFFFFC180  }
0x23: {  	[bflag:$0x0] =	sbarrier.arrive $0xFFFF  }
0x24: {  	s8 =	rddreg [dreg:$0x8]  }
0x25: {  	[tilespmem:s2], [sflag:$0x7] =	stream.linear.gather [hbm4b:s8+s2], $0x80, $0x38;
	[tilespmem:$0x12240] =	vst v63  }
0x26: {  	_ =	swait.ge [sflag:s18], $0x80  }
0x27: {  	[sflag:s18] =	ssyncset.done $0x0  }
0x28: {  	[sflag:s18] =	ssyncadd.s32 $0xFFFFFF80  }
0x29: {  	[tilespmem:s20], [sflag:$0x3] =	stream.indirect.gather [spmem:s1], $0x80, s2, s19, $0xb8;
	[tilespmem:$0x12240] =	vst v63  }
0x2a: {  	s9 =	rddreg [dreg:$0x9]  }
0x2b: {  	[tilespmem:s19], [sflag:$0x1] =	stream.strided.gather [hbm4b:s9+s21], $0x2000, s22, s21, $0x38;
	[tilespmem:$0x12240] =	vst v63  }
0x2c: {  	s10 =	rddreg [dreg:$0xa]  }
0x2d: {  	[tilespmem:s23], [sflag:$0x2] =	stream.strided.gather [hbm4b:s10+s21], $0x2000, s22, s21, $0x38;
	[tilespmem:$0x12240] =	vst v63  }
0x2e: {  	_ =	swait.ge [sflag:s24], $0x4000  }
0x2f: {  	[sflag:s24] =	ssyncset.done $0x0  }
0x30: {  	[sflag:s24] =	ssyncadd.s32 $0xFFFFC000  }
0x31: {  	_ =	swait.ge [sflag:s25], $0x2000  }
0x32: {  	[sflag:s25] =	ssyncset.done $0x0  }
0x33: {  	[sflag:s25] =	ssyncadd.s32 $0xFFFFE000  }
0x34: {  	_ =	swait.ge [sflag:s26], $0x2000  }
0x35: {  	[sflag:s26] =	ssyncset.done $0x0  }
0x36: {  	s11 =	rddreg [dreg:$0xb];
	[sflag:s26] =	ssyncadd.s32 $0xFFFFE000  }
0x37: {  	[tilespmem:s28], [sflag:$0x7] =	stream.linear.gather [hbm4b:s11+s2], $0x80, $0x38;
	[tilespmem:$0x12240] =	vst v63  }
0x38: {  	_ =	swait.ge [sflag:s18], $0x80  }
0x39: {  	[sflag:s18] =	ssyncset.done $0x0  }
0x3a: {  	[sflag:s18] =	ssyncadd.s32 $0xFFFFFF80  }
0x3b: {  	[tilespmem:s29], [sflag:$0x6] =	stream.indirect.gather [spmem:s1], $0x80, s28, s19, $0xb8;
	[tilespmem:$0x12240] =	vst v63  }
0x3c: {  	s12 =	rddreg [dreg:$0xc]  }
0x3d: {  	[tilespmem:s30], [sflag:$0x4] =	stream.strided.gather [hbm4b:s12+s21], $0x2000, s22, s21, $0x38;
	[tilespmem:$0x12240] =	vst v63  }
0x3e: {  	s6 =	simm.s32 $0x0;
	s13 =	rddreg [dreg:$0xd]  }
0x3f: {  	[tilespmem:s31], [sflag:$0x5] =	stream.strided.gather [hbm4b:s13+s21], $0x2000, s22, s21, $0x38;
	[tilespmem:$0x12240] =	vst v63  }
.LBB2_2:
0x40: {  	s7 =	sshll.u32 s6, $0x4;
	s8 =	simm.s32 $0x0  }
0x41: {  	s9 =	simm.s32 $0x7;
	v1 =	vor.u32 s7, v0;
	v3 =	vadd.s32 s8, v0  }
0x42: {  	s13 =	simm.s32 $0x6;
	v4 =	vadd.s32 s9, v0;
	v2 =	vshll.u32 v1, $0x7;
	v3 =	vand.u32 $0x3F, v3  }
0x43: {  	s10 =	simm.s32 $0x5;
	v5 =	vadd.s32 s13, v0;
	v7 =	vand.u32 $0x3F, v4;
	v4 =	vor.u32 v2, v3  }
0x44: {  	s11 =	simm.s32 $0x4;
	v6 =	vadd.s32 s10, v0;
	v5 =	vand.u32 $0x3F, v5;
	v8 =	vor.u32 v2, v7  }
0x45: {  	s12 =	simm.s32 $0x3;
	v9 =	vadd.s32 s11, v0;
	v6 =	vand.u32 $0x3F, v6;
	v10 =	vor.u32 v2, v5  }
0x46: {  	s13 =	simm.s32 $0x2;
	v11 =	vadd.s32 s12, v0;
	v9 =	vand.u32 $0x3F, v9;
	v12 =	vor.u32 v2, v6  }
0x47: {  	v13 =	vadd.s32 s13, v0;
	v11 =	vand.u32 $0x3F, v11;
	v14 =	vor.u32 v2, v9  }
0x48: {  	v13 =	vand.u32 $0x3F, v13;
	v16 =	vor.u32 v2, v11;
	v15 =	vld.idx.msk [tilespmem:v4+s20+$0x0], $0xffff  }
0x49: {  	v3 =	vshll.u32 v3, $0x7;
	v17 =	vor.u32 v2, v13;
	v4 =	vld.idx.msk [tilespmem:v8+s20+$0x0], $0xffff  }
0x4a: {  	s10 =	simm.s32 $0x1;
	v18 =	vadd.s32 v1, v3;
	v3 =	vld.idx.msk [tilespmem:v10+s20+$0x0], $0xffff  }
0x4b: {  	v6 =	vshll.u32 v6, $0x7;
	v8 =	vadd.s32 s10, v0;
	v25 =	vld.idx.msk [tilespmem:v12+s20+$0x0], $0xffff  }
0x4c: {  	v31 =	vadd.s32 v1, v6;
	v20 =	vld.idx.msk [tilespmem:v14+s20+$0x0], $0xffff;
	v8 =	vand.u32 $0x3F, v8  }
0x4d: {  	v12 =	vld.idx.msk [tilespmem:v16+s20+$0x0], $0xffff;
	v10 =	vshll.u32 v8, $0x7;
	v8 =	vor.u32 v2, v8  }
0x4e: {  	v13 =	vshll.u32 v13, $0x7;
	v14 =	vld.idx.msk [tilespmem:v17+s20+$0x0], $0xffff;
	v10 =	vadd.s32 v1, v10  }
0x4f: {  	v13 =	vadd.s32 v1, v13;
	v16 =	vld.idx.msk [tilespmem:v18+s23+$0x0], $0xffff  }
0x50: {  	v11 =	vshll.u32 v11, $0x7;
	v17 =	vld.idx.msk [tilespmem:v18+s19+$0x0], $0xffff  }
0x51: {  	s11 =	simm.s32 $0x8;
	s12 =	simm.s32 $0xF;
	v11 =	vadd.s32 v1, v11;
	v63 =	vld.idx.msk [tilespmem:v31+s19+$0x0], $0xffff  }
0x52: {  	s9 =	simm.s32 $0xB;
	v19 =	vadd.s32 s11, v0;
	s13 =	simm.s32 $0xD;
	v21 =	vadd.s32 s12, v0;
	v8 =	vld.idx.msk [tilespmem:v8+s20+$0x0], $0xffff  }
0x53: {  	s11 =	simm.s32 $0xC;
	v27 =	vadd.s32 s9, v0;
	v9 =	vshll.u32 v9, $0x7;
	v23 =	vadd.s32 s13, v0;
	v22 =	vld.idx.msk [tilespmem:v10+s19+$0x0], $0xffff  }
0x54: {  	v28 =	vadd.s32 s11, v0;
	v32 =	vand.u32 $0x3F, v19;
	v9 =	vadd.s32 v1, v9;
	s10 =	simm.s32 $0xE;
	v29 =	vld.idx.msk [tilespmem:v13+s19+$0x0], $0xffff  }
0x55: {  	s13 =	simm.s32 $0xA;
	v19 =	vshll.u32 v5, $0x7;
	v5 =	vand.u32 $0x3F, v21;
	v24 =	vadd.s32 s10, v0;
	v26 =	vld.idx.msk [tilespmem:v10+s23+$0x0], $0xffff  }
0x56: {  	v30 =	vadd.s32 s13, v0;
	v6 =	vand.u32 $0x3F, v24;
	v15 =	vmul.f32 v15, v17;
	v17 =	vld.idx.msk [tilespmem:v11+s19+$0x0], $0xffff  }
0x57: {  	v33 =	vadd.s32 v1, v19;
	v18 =	vimm.f32 $0.0e+00;
	v13 =	vld.idx.msk [tilespmem:v13+s23+$0x0], $0xffff;
	v21 =	vor.u32 v2, v6  }
0x58: {  	v24 =	vld.idx.msk [tilespmem:v11+s23+$0x0], $0xffff;
	v11 =	vmul.f32 v15, v16;
	v15 =	vshll.u32 v7, $0x7;
	v8 =	vmul.f32 v8, v22  }
0x59: {  	v25 =	vmul.f32 v25, v63;
	v19 =	vmul.f32 v14, v29;
	v16 =	vld.idx.msk [tilespmem:v9+s19+$0x0], $0xffff;
	v35 =	vadd.s32 v1, v15  }
0x5a: {  	s12 =	simm.s32 $0x9;
	v34 =	vld.idx.msk [tilespmem:v9+s23+$0x0], $0xffff;
	v9 =	vadd.f32 v11, v18;
	v22 =	vor.u32 v2, v32;
	v15 =	vmul.f32 v8, v26  }
0x5b: {  	v14 =	vld.idx.msk [tilespmem:v31+s23+$0x0], $0xffff;
	v10 =	vadd.s32 s12, v0;
	v7 =	vand.u32 $0x3F, v23;
	v17 =	vmul.f32 v12, v17  }
0x5c: {  	v23 =	vmul.f32 v19, v13;
	v13 =	vld.idx.msk [tilespmem:v33+s23+$0x0], $0xffff;
	v18 =	vor.u32 v2, v5;
	v9 =	vadd.f32 v15, v9  }
0x5d: {  	v19 =	vor.u32 v2, v7;
	v11 =	vand.u32 $0x3F, v27;
	v17 =	vmul.f32 v17, v24;
	v15 =	vld.idx.msk [tilespmem:v33+s19+$0x0], $0xffff  }
0x5e: {  	v24 =	vmul.f32 v20, v16;
	v16 =	vld.idx.msk [tilespmem:v35+s19+$0x0], $0xffff;
	v8 =	vand.u32 $0x3F, v28;
	v23 =	vadd.f32 v23, v9  }
0x5f: {  	v12 =	vand.u32 $0x3F, v30;
	v20 =	vor.u32 v2, v11;
	v9 =	vld.idx.msk [tilespmem:v22+s20+$0x0], $0xffff;
	v22 =	vor.u32 v2, v8  }
0x60: {  	s8 =	simm.s32 $0x10;
	v26 =	vshll.u32 v32, $0x7;
	v24 =	vmul.f32 v24, v34;
	v23 =	vadd.f32 v17, v23;
	v17 =	vld.idx.msk [tilespmem:v35+s23+$0x0], $0xffff  }
.LBB2_3:
0x61: {  	p1 =	slt.u32 s8, $0x38;
	v26 =	vadd.s32 v1, v26;
	v10 =	vand.u32 $0x3F, v10;
	v27 =	vor.u32 v2, v12;
	v18 =	vld.idx.msk [tilespmem:v18+s20+$0x0], $0xffff  }
0x62: {  	v15 =	vmul.f32 v3, v15;
	v23 =	vadd.f32 v24, v23;
	v14 =	vmul.f32 v25, v14;
	v3 =	vld.idx.msk [tilespmem:v21+s20+$0x0], $0xffff  }
0x63: {  	v21 =	vshll.u32 v10, $0x7;
	v10 =	vor.u32 v2, v10;
	v25 =	vld.idx.msk [tilespmem:v19+s20+$0x0], $0xffff  }
0x64: {  	v13 =	vmul.f32 v15, v13;
	v22 =	vld.idx.msk [tilespmem:v22+s20+$0x0], $0xffff;
	v14 =	vadd.f32 v14, v23;
	v23 =	vmul.f32 v4, v16  }
0x65: {  	v15 =	vadd.s32 v1, v21;
	v16 =	vld.idx.msk [tilespmem:v20+s20+$0x0], $0xffff  }
0x66: {  	v12 =	vshll.u32 v12, $0x7;
	v19 =	vld.idx.msk [tilespmem:v27+s20+$0x0], $0xffff;
	v13 =	vadd.f32 v13, v14;
	v14 =	vmul.f32 v23, v17  }
0x67: {  	v12 =	vadd.s32 v1, v12;
	v4 =	vmov v18;
	v17 =	vld.idx.msk [tilespmem:v26+s23+$0x0], $0xffff  }
0x68: {  	v11 =	vshll.u32 v11, $0x7;
	v18 =	vld.idx.msk [tilespmem:v26+s19+$0x0], $0xffff;
	v13 =	vadd.f32 v14, v13  }
0x69: {  	s9 =	sadd.s32 $0x7, s8;
	v11 =	vadd.s32 v1, v11;
	v14 =	vld.idx.msk [tilespmem:v10+s20+$0x0], $0xffff  }
0x6a: {  	s10 =	sadd.s32 $0x5, s8;
	s11 =	sadd.s32 $0x6, s8;
	v8 =	vshll.u32 v8, $0x7;
	v21 =	vadd.s32 s9, v0;
	v20 =	vadd.s32 s8, v0;
	v23 =	vld.idx.msk [tilespmem:v15+s19+$0x0], $0xffff  }
0x6b: {  	s12 =	sadd.s32 $0x4, s8;
	v24 =	vadd.s32 s10, v0;
	v8 =	vadd.s32 v1, v8;
	s9 =	sadd.s32 $0x3, s8;
	v26 =	vadd.s32 s11, v0;
	v15 =	vld.idx.msk [tilespmem:v15+s23+$0x0], $0xffff  }
0x6c: {  	v7 =	vshll.u32 v7, $0x7;
	s10 =	sadd.s32 $0x1, s8;
	v28 =	vadd.s32 s12, v0;
	v27 =	vadd.s32 s9, v0;
	s11 =	sadd.s32 $0x2, s8;
	v29 =	vld.idx.msk [tilespmem:v12+s19+$0x0], $0xffff  }
0x6d: {  	v31 =	vadd.s32 v1, v7;
	v10 =	vadd.s32 s10, v0;
	v30 =	vadd.s32 s11, v0;
	v12 =	vld.idx.msk [tilespmem:v12+s23+$0x0], $0xffff  }
0x6e: {  	v20 =	vand.u32 $0x3F, v20;
	v7 =	vmul.f32 v9, v18;
	v18 =	vshll.u32 v6, $0x7;
	v9 =	vld.idx.msk [tilespmem:v11+s19+$0x0], $0xffff  }
0x6f: {  	v21 =	vand.u32 $0x3F, v21;
	v6 =	vand.u32 $0x3F, v26;
	v32 =	vadd.s32 v1, v18;
	v26 =	vld.idx.msk [tilespmem:v11+s23+$0x0], $0xffff  }
0x70: {  	v18 =	vshll.u32 v5, $0x7;
	v5 =	vmovc v21;
	v11 =	vmul.f32 v7, v17;
	v14 =	vmul.f32 v14, v23;
	v17 =	vld.idx.msk [tilespmem:v8+s19+$0x0], $0xffff  }
0x71: {  	v23 =	vor.u32 v2, v20;
	v7 =	vand.u32 $0x3F, v24;
	v33 =	vadd.s32 v1, v18;
	v24 =	vld.idx.msk [tilespmem:v8+s23+$0x0], $0xffff  }
0x72: {  	v13 =	vadd.f32 v11, v13;
	v15 =	vmul.f32 v14, v15;
	v19 =	vmul.f32 v19, v29;
	v29 =	vld.idx.msk [tilespmem:v31+s19+$0x0], $0xffff  }
0x73: {  	v18 =	vor.u32 v2, v5;
	v11 =	vand.u32 $0x3F, v27;
	v8 =	vand.u32 $0x3F, v28;
	v14 =	vld.idx.msk [tilespmem:v31+s23+$0x0], $0xffff  }
.Ltmp0:
0x74: {  	v27 =	vadd.f32 v15, v13;
	v28 =	vmul.f32 v19, v12;
	v9 =	vmul.f32 v16, v9;
	v15 =	vld.idx.msk [tilespmem:v32+s19+$0x0], $0xffff;
	(pc) =	sbr.rel @p1 .LBB2_3-.Ltmp0, $4  }
0x75: {  	v21 =	vor.u32 v2, v6;
	v12 =	vand.u32 $0x3F, v30;
	v19 =	vor.u32 v2, v7;
	v13 =	vld.idx.msk [tilespmem:v32+s23+$0x0], $0xffff  }
0x76: {  	v27 =	vadd.f32 v28, v27;
	v28 =	vmul.f32 v9, v26;
	v17 =	vmul.f32 v22, v17;
	v16 =	vld.idx.msk [tilespmem:v33+s19+$0x0], $0xffff  }
0x77: {  	v26 =	vshll.u32 v20, $0x7;
	v20 =	vor.u32 v2, v11;
	v22 =	vor.u32 v2, v8;
	v9 =	vld.idx.msk [tilespmem:v23+s20+$0x0], $0xffff  }
0x78: {  	s8 =	sadd.s32 $0x8, s8;
	v23 =	vadd.f32 v28, v27;
	v24 =	vmul.f32 v17, v24;
	v25 =	vmul.f32 v25, v29;
	v17 =	vld.idx.msk [tilespmem:v33+s23+$0x0], $0xffff  }
0x79: {  	_ =	sdelay $0x3  }
0x7a: {  	v27 =	vor.u32 v2, v12;
	v18 =	vld.idx.msk [tilespmem:v18+s20+$0x0], $0xffff  }
0x7b: {  	v26 =	vadd.s32 v1, v26;
	v21 =	vld.idx.msk [tilespmem:v21+s20+$0x0], $0xffff  }
0x7c: {  	v10 =	vand.u32 $0x3F, v10;
	v19 =	vld.idx.msk [tilespmem:v19+s20+$0x0], $0xffff  }
0x7d: {  	v22 =	vld.idx.msk [tilespmem:v22+s20+$0x0], $0xffff;
	v2 =	vor.u32 v2, v10;
	v10 =	vshll.u32 v10, $0x7  }
0x7e: {  	v20 =	vld.idx.msk [tilespmem:v20+s20+$0x0], $0xffff;
	v48 =	vshll.u32 v12, $0x7;
	v10 =	vadd.s32 v1, v10  }
0x7f: {  	v12 =	vadd.s32 v1, v48;
	v27 =	vld.idx.msk [tilespmem:v27+s20+$0x0], $0xffff  }
0x80: {  	v49 =	vld.idx.msk [tilespmem:v26+s23+$0x0], $0xffff  }
0x81: {  	v3 =	vmul.f32 v3, v15;
	v11 =	vshll.u32 v11, $0x7;
	v8 =	vshll.u32 v8, $0x7;
	v50 =	vld.idx.msk [tilespmem:v26+s19+$0x0], $0xffff  }
0x82: {  	v23 =	vadd.f32 v24, v23;
	v14 =	vmul.f32 v25, v14;
	v11 =	vadd.s32 v1, v11;
	v2 =	vld.idx.msk [tilespmem:v2+s20+$0x0], $0xffff  }
0x83: {  	v7 =	vshll.u32 v7, $0x7;
	v8 =	vadd.s32 v1, v8;
	v51 =	vld.idx.msk [tilespmem:v10+s19+$0x0], $0xffff  }
0x84: {  	v3 =	vmul.f32 v3, v13;
	v4 =	vmul.f32 v4, v16;
	v14 =	vadd.f32 v14, v23;
	v52 =	vld.idx.msk [tilespmem:v12+s19+$0x0], $0xffff  }
0x85: {  	v6 =	vshll.u32 v6, $0x7;
	v7 =	vadd.s32 v1, v7;
	v10 =	vld.idx.msk [tilespmem:v10+s23+$0x0], $0xffff  }
0x86: {  	v4 =	vmul.f32 v4, v17;
	v3 =	vadd.f32 v3, v14;
	v12 =	vld.idx.msk [tilespmem:v12+s23+$0x0], $0xffff;
	v9 =	vmul.f32 v9, v50  }
0x87: {  	v5 =	vshll.u32 v5, $0x7;
	v6 =	vadd.s32 v1, v6;
	v53 =	vld.idx.msk [tilespmem:v11+s19+$0x0], $0xffff  }
0x88: {  	v11 =	vld.idx.msk [tilespmem:v11+s23+$0x0], $0xffff;
	v3 =	vadd.f32 v4, v3;
	v9 =	vmul.f32 v9, v49;
	v2 =	vmul.f32 v2, v51  }
0x89: {  	v1 =	vadd.s32 v1, v5;
	v54 =	vld.idx.msk [tilespmem:v8+s19+$0x0], $0xffff  }
0x8a: {  	v55 =	vld.idx.msk [tilespmem:v8+s23+$0x0], $0xffff;
	v56 =	vmul.f32 v27, v52;
	v3 =	vadd.f32 v9, v3;
	v2 =	vmul.f32 v2, v10  }
0x8b: {  	v57 =	vld.idx.msk [tilespmem:v7+s19+$0x0], $0xffff  }
0x8c: {  	v7 =	vld.idx.msk [tilespmem:v7+s23+$0x0], $0xffff;
	v4 =	vmul.f32 v20, v53;
	v2 =	vadd.f32 v2, v3;
	v3 =	vmul.f32 v56, v12  }
0x8d: {  	v58 =	vld.idx.msk [tilespmem:v6+s19+$0x0], $0xffff  }
0x8e: {  	v6 =	vld.idx.msk [tilespmem:v6+s23+$0x0], $0xffff;
	v59 =	vmul.f32 v22, v54;
	v2 =	vadd.f32 v3, v2;
	v3 =	vmul.f32 v4, v11  }
0x8f: {  	v60 =	vld.idx.msk [tilespmem:v1+s19+$0x0], $0xffff  }
0x90: {  	v61 =	vmul.f32 v19, v57;
	v2 =	vadd.f32 v3, v2;
	v3 =	vmul.f32 v59, v55  }
0x91: {  	v1 =	vld.idx.msk [tilespmem:v1+s23+$0x0], $0xffff  }
0x92: {  	v62 =	vmul.f32 v21, v58;
	v2 =	vadd.f32 v3, v2;
	v3 =	vmul.f32 v61, v7;
	_ =	sdelay $0x1  }
0x93: {  	s6 =	sadd.s32 $0x1, s6;
	v63 =	vmul.f32 v18, v60;
	v2 =	vadd.f32 v3, v2;
	v3 =	vmul.f32 v62, v6  }
0x94: {  	p1 =	sne.s32 s6, $0x8  }
.Ltmp1:
0x95: {  	v1 =	vmul.f32 v63, v1;
	v2 =	vadd.f32 v3, v2;
	(pc) =	sbr.rel @p1 .LBB2_2-.Ltmp1, $3  }
0x96: {  	_ = 	snop  }
0x97: {  	v1 =	vadd.f32 v1, v2;
	_ =	sdelay $0x1  }
0x98: {  	[tilespmem:s7+$0x10100] =	vst v1  }
0x99: {  	_ =	swait.ge [sflag:s0], $0x4000  }
0x9a: {  	[sflag:s0] =	ssyncset.done $0x0  }
0x9b: {  	[sflag:s0] =	ssyncadd.s32 $0xFFFFC000  }
0x9c: {  	_ =	swait.ge [sflag:s3], $0x2000  }
0x9d: {  	[sflag:s3] =	ssyncset.done $0x0  }
0x9e: {  	[sflag:s3] =	ssyncadd.s32 $0xFFFFE000  }
0x9f: {  	_ =	swait.ge [sflag:s4], $0x2000  }
0xa0: {  	[sflag:s4] =	ssyncset.done $0x0  }
0xa1: {  	s6 =	simm.s32 $0x0;
	s7 =	rddreg [dreg:$0xe];
	[sflag:s4] =	ssyncadd.s32 $0xFFFFE000  }
0xa2: {  	[tilespmem:s6], [sflag:$0x7] =	stream.linear.gather [hbm4b:s7+s6], $0x80, $0x38;
	[tilespmem:$0x12240] =	vst v63  }
0xa3: {  	_ =	swait.ge [sflag:s18], $0x80  }
0xa4: {  	[sflag:s18] =	ssyncset.done $0x0  }
0xa5: {  	[sflag:s18] =	ssyncadd.s32 $0xFFFFFF80  }
0xa6: {  	[tilespmem:s20], [sflag:$0x3] =	stream.indirect.gather [spmem:s1], $0x80, s6, s19, $0xb8;
	[tilespmem:$0x12240] =	vst v63  }
0xa7: {  	s12 =	rddreg [dreg:$0xf]  }
0xa8: {  	[tilespmem:s19], [sflag:$0x1] =	stream.strided.gather [hbm4b:s12+s21], $0x2000, s22, s21, $0x38;
	[tilespmem:$0x12240] =	vst v63  }
0xa9: {  	s7 =	simm.s32 $0x0;
	s13 =	rddreg [dreg:$0x10]  }
0xaa: {  	[tilespmem:s23], [sflag:$0x2] =	stream.strided.gather [hbm4b:s13+s21], $0x2000, s22, s21, $0x38;
	[tilespmem:$0x12240] =	vst v63  }
.LBB2_6:
0xab: {  	s8 =	sshll.u32 s7, $0x4  }
0xac: {  	s9 =	simm.s32 $0x7;
	v3 =	vadd.s32 s6, v0;
	v1 =	vor.u32 s8, v0  }
0xad: {  	s10 =	simm.s32 $0x6;
	v4 =	vadd.s32 s9, v0;
	v3 =	vand.u32 $0x3F, v3;
	v2 =	vshll.u32 v1, $0x7  }
0xae: {  	s13 =	simm.s32 $0x5;
	v5 =	vadd.s32 s10, v0;
	v7 =	vand.u32 $0x3F, v4;
	v4 =	vor.u32 v2, v3  }
0xaf: {  	s11 =	simm.s32 $0x4;
	v6 =	vadd.s32 s13, v0;
	v5 =	vand.u32 $0x3F, v5;
	v8 =	vor.u32 v2, v7  }
0xb0: {  	s12 =	simm.s32 $0x3;
	v9 =	vadd.s32 s11, v0;
	v6 =	vand.u32 $0x3F, v6;
	v10 =	vor.u32 v2, v5  }
0xb1: {  	s13 =	simm.s32 $0x2;
	v11 =	vadd.s32 s12, v0;
	v9 =	vand.u32 $0x3F, v9;
	v12 =	vor.u32 v2, v6  }
0xb2: {  	v13 =	vadd.s32 s13, v0;
	v11 =	vand.u32 $0x3F, v11;
	v14 =	vor.u32 v2, v9  }
0xb3: {  	v13 =	vand.u32 $0x3F, v13;
	v16 =	vor.u32 v2, v11;
	v15 =	vld.idx.msk [tilespmem:v4+s29+$0x0], $0xffff  }
0xb4: {  	v3 =	vshll.u32 v3, $0x7;
	v17 =	vor.u32 v2, v13;
	v4 =	vld.idx.msk [tilespmem:v8+s29+$0x0], $0xffff  }
0xb5: {  	s10 =	simm.s32 $0x1;
	v18 =	vadd.s32 v1, v3;
	v3 =	vld.idx.msk [tilespmem:v10+s29+$0x0], $0xffff  }
0xb6: {  	v6 =	vshll.u32 v6, $0x7;
	v8 =	vadd.s32 s10, v0;
	v25 =	vld.idx.msk [tilespmem:v12+s29+$0x0], $0xffff  }
0xb7: {  	v31 =	vadd.s32 v1, v6;
	v20 =	vld.idx.msk [tilespmem:v14+s29+$0x0], $0xffff;
	v8 =	vand.u32 $0x3F, v8  }
0xb8: {  	v12 =	vld.idx.msk [tilespmem:v16+s29+$0x0], $0xffff;
	v10 =	vshll.u32 v8, $0x7;
	v8 =	vor.u32 v2, v8  }
0xb9: {  	v13 =	vshll.u32 v13, $0x7;
	v14 =	vld.idx.msk [tilespmem:v17+s29+$0x0], $0xffff;
	v10 =	vadd.s32 v1, v10  }
0xba: {  	v13 =	vadd.s32 v1, v13;
	v16 =	vld.idx.msk [tilespmem:v18+s31+$0x0], $0xffff  }
0xbb: {  	v11 =	vshll.u32 v11, $0x7;
	v17 =	vld.idx.msk [tilespmem:v18+s30+$0x0], $0xffff  }
0xbc: {  	s11 =	simm.s32 $0x8;
	s12 =	simm.s32 $0xF;
	v11 =	vadd.s32 v1, v11;
	v63 =	vld.idx.msk [tilespmem:v31+s30+$0x0], $0xffff  }
0xbd: {  	v19 =	vadd.s32 s11, v0;
	s13 =	simm.s32 $0xD;
	s11 =	simm.s32 $0xE;
	v21 =	vadd.s32 s12, v0;
	v8 =	vld.idx.msk [tilespmem:v8+s29+$0x0], $0xffff  }
0xbe: {  	s12 =	simm.s32 $0xC;
	v9 =	vshll.u32 v9, $0x7;
	v23 =	vadd.s32 s13, v0;
	v24 =	vadd.s32 s11, v0;
	v22 =	vld.idx.msk [tilespmem:v10+s30+$0x0], $0xffff  }
0xbf: {  	s13 =	simm.s32 $0xA;
	v28 =	vadd.s32 s12, v0;
	v32 =	vand.u32 $0x3F, v19;
	v9 =	vadd.s32 v1, v9;
	v29 =	vld.idx.msk [tilespmem:v13+s30+$0x0], $0xffff  }
0xc0: {  	v19 =	vshll.u32 v5, $0x7;
	v5 =	vand.u32 $0x3F, v21;
	v30 =	vadd.s32 s13, v0;
	v26 =	vld.idx.msk [tilespmem:v10+s31+$0x0], $0xffff  }
0xc1: {  	v6 =	vand.u32 $0x3F, v24;
	v33 =	vadd.s32 v1, v19;
	s10 =	simm.s32 $0xB;
	v15 =	vmul.f32 v15, v17;
	v17 =	vld.idx.msk [tilespmem:v11+s30+$0x0], $0xffff  }
0xc2: {  	v21 =	vor.u32 v2, v6;
	v18 =	vimm.f32 $0.0e+00;
	v27 =	vadd.s32 s10, v0;
	v13 =	vld.idx.msk [tilespmem:v13+s31+$0x0], $0xffff  }
0xc3: {  	v24 =	vld.idx.msk [tilespmem:v11+s31+$0x0], $0xffff;
	v11 =	vmul.f32 v15, v16;
	v15 =	vshll.u32 v7, $0x7;
	v8 =	vmul.f32 v8, v22  }
0xc4: {  	v25 =	vmul.f32 v25, v63;
	v19 =	vmul.f32 v14, v29;
	v16 =	vld.idx.msk [tilespmem:v9+s30+$0x0], $0xffff;
	v35 =	vadd.s32 v1, v15  }
0xc5: {  	s11 =	simm.s32 $0x9;
	v34 =	vld.idx.msk [tilespmem:v9+s31+$0x0], $0xffff;
	v9 =	vadd.f32 v11, v18;
	v22 =	vor.u32 v2, v32;
	v15 =	vmul.f32 v8, v26  }
0xc6: {  	v14 =	vld.idx.msk [tilespmem:v31+s31+$0x0], $0xffff;
	v10 =	vadd.s32 s11, v0;
	v7 =	vand.u32 $0x3F, v23;
	v17 =	vmul.f32 v12, v17  }
0xc7: {  	v23 =	vmul.f32 v19, v13;
	v13 =	vld.idx.msk [tilespmem:v33+s31+$0x0], $0xffff;
	v18 =	vor.u32 v2, v5;
	v9 =	vadd.f32 v15, v9  }
0xc8: {  	v19 =	vor.u32 v2, v7;
	v11 =	vand.u32 $0x3F, v27;
	v17 =	vmul.f32 v17, v24;
	v15 =	vld.idx.msk [tilespmem:v33+s30+$0x0], $0xffff  }
0xc9: {  	v24 =	vmul.f32 v20, v16;
	v16 =	vld.idx.msk [tilespmem:v35+s30+$0x0], $0xffff;
	v8 =	vand.u32 $0x3F, v28;
	v23 =	vadd.f32 v23, v9  }
0xca: {  	v12 =	vand.u32 $0x3F, v30;
	v20 =	vor.u32 v2, v11;
	v9 =	vld.idx.msk [tilespmem:v22+s29+$0x0], $0xffff;
	v22 =	vor.u32 v2, v8  }
0xcb: {  	s9 =	simm.s32 $0x10;
	v26 =	vshll.u32 v32, $0x7;
	v24 =	vmul.f32 v24, v34;
	v23 =	vadd.f32 v17, v23;
	v17 =	vld.idx.msk [tilespmem:v35+s31+$0x0], $0xffff  }
.LBB2_7:
0xcc: {  	p1 =	slt.u32 s9, $0x38;
	v26 =	vadd.s32 v1, v26;
	v10 =	vand.u32 $0x3F, v10;
	v27 =	vor.u32 v2, v12;
	v18 =	vld.idx.msk [tilespmem:v18+s29+$0x0], $0xffff  }
0xcd: {  	v15 =	vmul.f32 v3, v15;
	v23 =	vadd.f32 v24, v23;
	v14 =	vmul.f32 v25, v14;
	v3 =	vld.idx.msk [tilespmem:v21+s29+$0x0], $0xffff  }
0xce: {  	v21 =	vshll.u32 v10, $0x7;
	v10 =	vor.u32 v2, v10;
	v25 =	vld.idx.msk [tilespmem:v19+s29+$0x0], $0xffff  }
0xcf: {  	v13 =	vmul.f32 v15, v13;
	v22 =	vld.idx.msk [tilespmem:v22+s29+$0x0], $0xffff;
	v14 =	vadd.f32 v14, v23;
	v23 =	vmul.f32 v4, v16  }
0xd0: {  	v15 =	vadd.s32 v1, v21;
	v16 =	vld.idx.msk [tilespmem:v20+s29+$0x0], $0xffff  }
0xd1: {  	v12 =	vshll.u32 v12, $0x7;
	v19 =	vld.idx.msk [tilespmem:v27+s29+$0x0], $0xffff;
	v13 =	vadd.f32 v13, v14;
	v14 =	vmul.f32 v23, v17  }
0xd2: {  	v12 =	vadd.s32 v1, v12;
	v4 =	vmov v18;
	v17 =	vld.idx.msk [tilespmem:v26+s31+$0x0], $0xffff  }
0xd3: {  	v11 =	vshll.u32 v11, $0x7;
	v18 =	vld.idx.msk [tilespmem:v26+s30+$0x0], $0xffff;
	v13 =	vadd.f32 v14, v13  }
0xd4: {  	s10 =	sadd.s32 $0x7, s9;
	v11 =	vadd.s32 v1, v11;
	v14 =	vld.idx.msk [tilespmem:v10+s29+$0x0], $0xffff  }
0xd5: {  	s11 =	sadd.s32 $0x5, s9;
	s12 =	sadd.s32 $0x6, s9;
	v8 =	vshll.u32 v8, $0x7;
	v21 =	vadd.s32 s10, v0;
	v20 =	vadd.s32 s9, v0;
	v23 =	vld.idx.msk [tilespmem:v15+s30+$0x0], $0xffff  }
0xd6: {  	s13 =	sadd.s32 $0x4, s9;
	v24 =	vadd.s32 s11, v0;
	v8 =	vadd.s32 v1, v8;
	s10 =	sadd.s32 $0x3, s9;
	v26 =	vadd.s32 s12, v0;
	v15 =	vld.idx.msk [tilespmem:v15+s31+$0x0], $0xffff  }
0xd7: {  	v7 =	vshll.u32 v7, $0x7;
	s11 =	sadd.s32 $0x1, s9;
	v28 =	vadd.s32 s13, v0;
	v27 =	vadd.s32 s10, v0;
	s12 =	sadd.s32 $0x2, s9;
	v29 =	vld.idx.msk [tilespmem:v12+s30+$0x0], $0xffff  }
0xd8: {  	v31 =	vadd.s32 v1, v7;
	v10 =	vadd.s32 s11, v0;
	v30 =	vadd.s32 s12, v0;
	v12 =	vld.idx.msk [tilespmem:v12+s31+$0x0], $0xffff  }
0xd9: {  	v20 =	vand.u32 $0x3F, v20;
	v7 =	vmul.f32 v9, v18;
	v18 =	vshll.u32 v6, $0x7;
	v9 =	vld.idx.msk [tilespmem:v11+s30+$0x0], $0xffff  }
0xda: {  	v21 =	vand.u32 $0x3F, v21;
	v6 =	vand.u32 $0x3F, v26;
	v32 =	vadd.s32 v1, v18;
	v26 =	vld.idx.msk [tilespmem:v11+s31+$0x0], $0xffff  }
0xdb: {  	v18 =	vshll.u32 v5, $0x7;
	v5 =	vmovc v21;
	v11 =	vmul.f32 v7, v17;
	v14 =	vmul.f32 v14, v23;
	v17 =	vld.idx.msk [tilespmem:v8+s30+$0x0], $0xffff  }
0xdc: {  	v23 =	vor.u32 v2, v20;
	v7 =	vand.u32 $0x3F, v24;
	v33 =	vadd.s32 v1, v18;
	v24 =	vld.idx.msk [tilespmem:v8+s31+$0x0], $0xffff  }
0xdd: {  	v13 =	vadd.f32 v11, v13;
	v15 =	vmul.f32 v14, v15;
	v19 =	vmul.f32 v19, v29;
	v29 =	vld.idx.msk [tilespmem:v31+s30+$0x0], $0xffff  }
0xde: {  	v18 =	vor.u32 v2, v5;
	v11 =	vand.u32 $0x3F, v27;
	v8 =	vand.u32 $0x3F, v28;
	v14 =	vld.idx.msk [tilespmem:v31+s31+$0x0], $0xffff  }
.Ltmp2:
0xdf: {  	v27 =	vadd.f32 v15, v13;
	v28 =	vmul.f32 v19, v12;
	v9 =	vmul.f32 v16, v9;
	v15 =	vld.idx.msk [tilespmem:v32+s30+$0x0], $0xffff;
	(pc) =	sbr.rel @p1 .LBB2_7-.Ltmp2, $4  }
0xe0: {  	v21 =	vor.u32 v2, v6;
	v12 =	vand.u32 $0x3F, v30;
	v19 =	vor.u32 v2, v7;
	v13 =	vld.idx.msk [tilespmem:v32+s31+$0x0], $0xffff  }
0xe1: {  	v27 =	vadd.f32 v28, v27;
	v28 =	vmul.f32 v9, v26;
	v17 =	vmul.f32 v22, v17;
	v16 =	vld.idx.msk [tilespmem:v33+s30+$0x0], $0xffff  }
0xe2: {  	v26 =	vshll.u32 v20, $0x7;
	v20 =	vor.u32 v2, v11;
	v22 =	vor.u32 v2, v8;
	v9 =	vld.idx.msk [tilespmem:v23+s29+$0x0], $0xffff  }
0xe3: {  	s9 =	sadd.s32 $0x8, s9;
	v23 =	vadd.f32 v28, v27;
	v24 =	vmul.f32 v17, v24;
	v25 =	vmul.f32 v25, v29;
	v17 =	vld.idx.msk [tilespmem:v33+s31+$0x0], $0xffff  }
0xe4: {  	_ =	sdelay $0x3  }
0xe5: {  	v27 =	vor.u32 v2, v12;
	v18 =	vld.idx.msk [tilespmem:v18+s29+$0x0], $0xffff  }
0xe6: {  	v26 =	vadd.s32 v1, v26;
	v21 =	vld.idx.msk [tilespmem:v21+s29+$0x0], $0xffff  }
0xe7: {  	v10 =	vand.u32 $0x3F, v10;
	v19 =	vld.idx.msk [tilespmem:v19+s29+$0x0], $0xffff  }
0xe8: {  	v22 =	vld.idx.msk [tilespmem:v22+s29+$0x0], $0xffff;
	v2 =	vor.u32 v2, v10;
	v10 =	vshll.u32 v10, $0x7  }
0xe9: {  	v20 =	vld.idx.msk [tilespmem:v20+s29+$0x0], $0xffff;
	v48 =	vshll.u32 v12, $0x7;
	v10 =	vadd.s32 v1, v10  }
0xea: {  	v12 =	vadd.s32 v1, v48;
	v27 =	vld.idx.msk [tilespmem:v27+s29+$0x0], $0xffff  }
0xeb: {  	v49 =	vld.idx.msk [tilespmem:v26+s31+$0x0], $0xffff  }
0xec: {  	v3 =	vmul.f32 v3, v15;
	v11 =	vshll.u32 v11, $0x7;
	v8 =	vshll.u32 v8, $0x7;
	v50 =	vld.idx.msk [tilespmem:v26+s30+$0x0], $0xffff  }
0xed: {  	v23 =	vadd.f32 v24, v23;
	v14 =	vmul.f32 v25, v14;
	v11 =	vadd.s32 v1, v11;
	v2 =	vld.idx.msk [tilespmem:v2+s29+$0x0], $0xffff  }
0xee: {  	v7 =	vshll.u32 v7, $0x7;
	v8 =	vadd.s32 v1, v8;
	v51 =	vld.idx.msk [tilespmem:v10+s30+$0x0], $0xffff  }
0xef: {  	v3 =	vmul.f32 v3, v13;
	v4 =	vmul.f32 v4, v16;
	v14 =	vadd.f32 v14, v23;
	v52 =	vld.idx.msk [tilespmem:v12+s30+$0x0], $0xffff  }
0xf0: {  	v6 =	vshll.u32 v6, $0x7;
	v7 =	vadd.s32 v1, v7;
	v10 =	vld.idx.msk [tilespmem:v10+s31+$0x0], $0xffff  }
0xf1: {  	v4 =	vmul.f32 v4, v17;
	v3 =	vadd.f32 v3, v14;
	v12 =	vld.idx.msk [tilespmem:v12+s31+$0x0], $0xffff;
	v9 =	vmul.f32 v9, v50  }
0xf2: {  	v5 =	vshll.u32 v5, $0x7;
	v6 =	vadd.s32 v1, v6;
	v53 =	vld.idx.msk [tilespmem:v11+s30+$0x0], $0xffff  }
0xf3: {  	v11 =	vld.idx.msk [tilespmem:v11+s31+$0x0], $0xffff;
	v3 =	vadd.f32 v4, v3;
	v9 =	vmul.f32 v9, v49;
	v2 =	vmul.f32 v2, v51  }
0xf4: {  	v1 =	vadd.s32 v1, v5;
	v54 =	vld.idx.msk [tilespmem:v8+s30+$0x0], $0xffff  }
0xf5: {  	v55 =	vld.idx.msk [tilespmem:v8+s31+$0x0], $0xffff;
	v56 =	vmul.f32 v27, v52;
	v3 =	vadd.f32 v9, v3;
	v2 =	vmul.f32 v2, v10  }
0xf6: {  	v57 =	vld.idx.msk [tilespmem:v7+s30+$0x0], $0xffff  }
0xf7: {  	v7 =	vld.idx.msk [tilespmem:v7+s31+$0x0], $0xffff;
	v4 =	vmul.f32 v20, v53;
	v2 =	vadd.f32 v2, v3;
	v3 =	vmul.f32 v56, v12  }
0xf8: {  	v58 =	vld.idx.msk [tilespmem:v6+s30+$0x0], $0xffff  }
0xf9: {  	v6 =	vld.idx.msk [tilespmem:v6+s31+$0x0], $0xffff;
	v59 =	vmul.f32 v22, v54;
	v2 =	vadd.f32 v3, v2;
	v3 =	vmul.f32 v4, v11  }
0xfa: {  	v60 =	vld.idx.msk [tilespmem:v1+s30+$0x0], $0xffff  }
0xfb: {  	v61 =	vmul.f32 v19, v57;
	v2 =	vadd.f32 v3, v2;
	v3 =	vmul.f32 v59, v55  }
0xfc: {  	v1 =	vld.idx.msk [tilespmem:v1+s31+$0x0], $0xffff  }
0xfd: {  	v62 =	vmul.f32 v21, v58;
	v2 =	vadd.f32 v3, v2;
	v3 =	vmul.f32 v61, v7;
	_ =	sdelay $0x1  }
0xfe: {  	s7 =	sadd.s32 $0x1, s7;
	v63 =	vmul.f32 v18, v60;
	v2 =	vadd.f32 v3, v2;
	v3 =	vmul.f32 v62, v6  }
0xff: {  	p1 =	sne.s32 s7, $0x8  }
.Ltmp3:
0x100: {  	v1 =	vmul.f32 v63, v1;
	v2 =	vadd.f32 v3, v2;
	(pc) =	sbr.rel @p1 .LBB2_6-.Ltmp3, $3  }
0x101: {  	_ = 	snop  }
0x102: {  	v1 =	vadd.f32 v1, v2;
	_ =	sdelay $0x1  }
0x103: {  	[tilespmem:s8+$0x10180] =	vst v1  }
0x104: {  	_ =	swait.ge [sflag:s24], $0x4000  }
0x105: {  	[sflag:s24] =	ssyncset.done $0x0  }
0x106: {  	[sflag:s24] =	ssyncadd.s32 $0xFFFFC000  }
0x107: {  	_ =	swait.ge [sflag:s25], $0x2000  }
0x108: {  	[sflag:s25] =	ssyncset.done $0x0  }
0x109: {  	[sflag:s25] =	ssyncadd.s32 $0xFFFFE000  }
0x10a: {  	_ =	swait.ge [sflag:s26], $0x2000  }
0x10b: {  	[sflag:s26] =	ssyncset.done $0x0  }
0x10c: {  	s6 =	simm.s32 $0x0;
	s7 =	rddreg [dreg:$0x11];
	[sflag:s26] =	ssyncadd.s32 $0xFFFFE000  }
0x10d: {  	[tilespmem:s28], [sflag:$0x7] =	stream.linear.gather [hbm4b:s7+s6], $0x80, $0x38;
	[tilespmem:$0x12240] =	vst v63  }
0x10e: {  	_ =	swait.ge [sflag:s18], $0x80  }
0x10f: {  	[sflag:s18] =	ssyncset.done $0x0  }
0x110: {  	[sflag:s18] =	ssyncadd.s32 $0xFFFFFF80  }
0x111: {  	[tilespmem:s29], [sflag:$0x6] =	stream.indirect.gather [spmem:s1], $0x80, s28, s19, $0xb8;
	[tilespmem:$0x12240] =	vst v63  }
0x112: {  	_ = 	snop  }
0x113: {  	[tilespmem:s30], [sflag:$0x4] =	stream.strided.gather [hbm4b:s14+s21], $0x2000, s22, s21, $0x38;
	[tilespmem:$0x12240] =	vst v63  }
0x114: {  	s7 =	simm.s32 $0x0  }
0x115: {  	[tilespmem:s31], [sflag:$0x5] =	stream.strided.gather [hbm4b:s15+s21], $0x2000, s22, s21, $0x38;
	[tilespmem:$0x12240] =	vst v63  }
.LBB2_10:
0x116: {  	s8 =	sshll.u32 s7, $0x4  }
0x117: {  	s9 =	simm.s32 $0x7;
	v3 =	vadd.s32 s6, v0;
	v1 =	vor.u32 s8, v0  }
0x118: {  	s10 =	simm.s32 $0x6;
	v4 =	vadd.s32 s9, v0;
	v3 =	vand.u32 $0x3F, v3;
	v2 =	vshll.u32 v1, $0x7  }
0x119: {  	s13 =	simm.s32 $0x5;
	v5 =	vadd.s32 s10, v0;
	v7 =	vand.u32 $0x3F, v4;
	v4 =	vor.u32 v2, v3  }
0x11a: {  	s11 =	simm.s32 $0x4;
	v6 =	vadd.s32 s13, v0;
	v5 =	vand.u32 $0x3F, v5;
	v8 =	vor.u32 v2, v7  }
0x11b: {  	s12 =	simm.s32 $0x3;
	v9 =	vadd.s32 s11, v0;
	v6 =	vand.u32 $0x3F, v6;
	v10 =	vor.u32 v2, v5  }
0x11c: {  	s13 =	simm.s32 $0x2;
	v11 =	vadd.s32 s12, v0;
	v9 =	vand.u32 $0x3F, v9;
	v12 =	vor.u32 v2, v6  }
0x11d: {  	v13 =	vadd.s32 s13, v0;
	v11 =	vand.u32 $0x3F, v11;
	v14 =	vor.u32 v2, v9  }
0x11e: {  	v13 =	vand.u32 $0x3F, v13;
	v16 =	vor.u32 v2, v11;
	v15 =	vld.idx.msk [tilespmem:v4+s20+$0x0], $0xffff  }
0x11f: {  	v3 =	vshll.u32 v3, $0x7;
	v17 =	vor.u32 v2, v13;
	v4 =	vld.idx.msk [tilespmem:v8+s20+$0x0], $0xffff  }
0x120: {  	s10 =	simm.s32 $0x1;
	v18 =	vadd.s32 v1, v3;
	v3 =	vld.idx.msk [tilespmem:v10+s20+$0x0], $0xffff  }
0x121: {  	v6 =	vshll.u32 v6, $0x7;
	v8 =	vadd.s32 s10, v0;
	v25 =	vld.idx.msk [tilespmem:v12+s20+$0x0], $0xffff  }
0x122: {  	v31 =	vadd.s32 v1, v6;
	v20 =	vld.idx.msk [tilespmem:v14+s20+$0x0], $0xffff;
	v8 =	vand.u32 $0x3F, v8  }
0x123: {  	v12 =	vld.idx.msk [tilespmem:v16+s20+$0x0], $0xffff;
	v10 =	vshll.u32 v8, $0x7;
	v8 =	vor.u32 v2, v8  }
0x124: {  	v13 =	vshll.u32 v13, $0x7;
	v14 =	vld.idx.msk [tilespmem:v17+s20+$0x0], $0xffff;
	v10 =	vadd.s32 v1, v10  }
0x125: {  	v13 =	vadd.s32 v1, v13;
	v16 =	vld.idx.msk [tilespmem:v18+s23+$0x0], $0xffff  }
0x126: {  	v11 =	vshll.u32 v11, $0x7;
	v17 =	vld.idx.msk [tilespmem:v18+s19+$0x0], $0xffff  }
0x127: {  	s11 =	simm.s32 $0x8;
	s12 =	simm.s32 $0xF;
	v11 =	vadd.s32 v1, v11;
	v63 =	vld.idx.msk [tilespmem:v31+s19+$0x0], $0xffff  }
0x128: {  	v19 =	vadd.s32 s11, v0;
	s13 =	simm.s32 $0xD;
	s11 =	simm.s32 $0xE;
	v21 =	vadd.s32 s12, v0;
	v8 =	vld.idx.msk [tilespmem:v8+s20+$0x0], $0xffff  }
0x129: {  	s12 =	simm.s32 $0xC;
	v9 =	vshll.u32 v9, $0x7;
	v23 =	vadd.s32 s13, v0;
	v24 =	vadd.s32 s11, v0;
	v22 =	vld.idx.msk [tilespmem:v10+s19+$0x0], $0xffff  }
0x12a: {  	s13 =	simm.s32 $0xA;
	v28 =	vadd.s32 s12, v0;
	v32 =	vand.u32 $0x3F, v19;
	v9 =	vadd.s32 v1, v9;
	v29 =	vld.idx.msk [tilespmem:v13+s19+$0x0], $0xffff  }
0x12b: {  	v19 =	vshll.u32 v5, $0x7;
	v5 =	vand.u32 $0x3F, v21;
	v30 =	vadd.s32 s13, v0;
	v26 =	vld.idx.msk [tilespmem:v10+s23+$0x0], $0xffff  }
0x12c: {  	v6 =	vand.u32 $0x3F, v24;
	v33 =	vadd.s32 v1, v19;
	s10 =	simm.s32 $0xB;
	v15 =	vmul.f32 v15, v17;
	v17 =	vld.idx.msk [tilespmem:v11+s19+$0x0], $0xffff  }
0x12d: {  	v21 =	vor.u32 v2, v6;
	v18 =	vimm.f32 $0.0e+00;
	v27 =	vadd.s32 s10, v0;
	v13 =	vld.idx.msk [tilespmem:v13+s23+$0x0], $0xffff  }
0x12e: {  	v24 =	vld.idx.msk [tilespmem:v11+s23+$0x0], $0xffff;
	v11 =	vmul.f32 v15, v16;
	v15 =	vshll.u32 v7, $0x7;
	v8 =	vmul.f32 v8, v22  }
0x12f: {  	v25 =	vmul.f32 v25, v63;
	v19 =	vmul.f32 v14, v29;
	v16 =	vld.idx.msk [tilespmem:v9+s19+$0x0], $0xffff;
	v35 =	vadd.s32 v1, v15  }
0x130: {  	s11 =	simm.s32 $0x9;
	v34 =	vld.idx.msk [tilespmem:v9+s23+$0x0], $0xffff;
	v9 =	vadd.f32 v11, v18;
	v22 =	vor.u32 v2, v32;
	v15 =	vmul.f32 v8, v26  }
0x131: {  	v14 =	vld.idx.msk [tilespmem:v31+s23+$0x0], $0xffff;
	v10 =	vadd.s32 s11, v0;
	v7 =	vand.u32 $0x3F, v23;
	v17 =	vmul.f32 v12, v17  }
0x132: {  	v23 =	vmul.f32 v19, v13;
	v13 =	vld.idx.msk [tilespmem:v33+s23+$0x0], $0xffff;
	v18 =	vor.u32 v2, v5;
	v9 =	vadd.f32 v15, v9  }
0x133: {  	v19 =	vor.u32 v2, v7;
	v11 =	vand.u32 $0x3F, v27;
	v17 =	vmul.f32 v17, v24;
	v15 =	vld.idx.msk [tilespmem:v33+s19+$0x0], $0xffff  }
0x134: {  	v24 =	vmul.f32 v20, v16;
	v16 =	vld.idx.msk [tilespmem:v35+s19+$0x0], $0xffff;
	v8 =	vand.u32 $0x3F, v28;
	v23 =	vadd.f32 v23, v9  }
0x135: {  	v12 =	vand.u32 $0x3F, v30;
	v20 =	vor.u32 v2, v11;
	v9 =	vld.idx.msk [tilespmem:v22+s20+$0x0], $0xffff;
	v22 =	vor.u32 v2, v8  }
0x136: {  	s9 =	simm.s32 $0x10;
	v26 =	vshll.u32 v32, $0x7;
	v24 =	vmul.f32 v24, v34;
	v23 =	vadd.f32 v17, v23;
	v17 =	vld.idx.msk [tilespmem:v35+s23+$0x0], $0xffff  }
.LBB2_11:
0x137: {  	p1 =	slt.u32 s9, $0x38;
	v26 =	vadd.s32 v1, v26;
	v10 =	vand.u32 $0x3F, v10;
	v27 =	vor.u32 v2, v12;
	v18 =	vld.idx.msk [tilespmem:v18+s20+$0x0], $0xffff  }
0x138: {  	v15 =	vmul.f32 v3, v15;
	v23 =	vadd.f32 v24, v23;
	v14 =	vmul.f32 v25, v14;
	v3 =	vld.idx.msk [tilespmem:v21+s20+$0x0], $0xffff  }
0x139: {  	v21 =	vshll.u32 v10, $0x7;
	v10 =	vor.u32 v2, v10;
	v25 =	vld.idx.msk [tilespmem:v19+s20+$0x0], $0xffff  }
0x13a: {  	v13 =	vmul.f32 v15, v13;
	v22 =	vld.idx.msk [tilespmem:v22+s20+$0x0], $0xffff;
	v14 =	vadd.f32 v14, v23;
	v23 =	vmul.f32 v4, v16  }
0x13b: {  	v15 =	vadd.s32 v1, v21;
	v16 =	vld.idx.msk [tilespmem:v20+s20+$0x0], $0xffff  }
0x13c: {  	v12 =	vshll.u32 v12, $0x7;
	v19 =	vld.idx.msk [tilespmem:v27+s20+$0x0], $0xffff;
	v13 =	vadd.f32 v13, v14;
	v14 =	vmul.f32 v23, v17  }
0x13d: {  	v12 =	vadd.s32 v1, v12;
	v4 =	vmov v18;
	v17 =	vld.idx.msk [tilespmem:v26+s23+$0x0], $0xffff  }
0x13e: {  	v11 =	vshll.u32 v11, $0x7;
	v18 =	vld.idx.msk [tilespmem:v26+s19+$0x0], $0xffff;
	v13 =	vadd.f32 v14, v13  }
0x13f: {  	s10 =	sadd.s32 $0x7, s9;
	v11 =	vadd.s32 v1, v11;
	v14 =	vld.idx.msk [tilespmem:v10+s20+$0x0], $0xffff  }
0x140: {  	s11 =	sadd.s32 $0x5, s9;
	s12 =	sadd.s32 $0x6, s9;
	v8 =	vshll.u32 v8, $0x7;
	v21 =	vadd.s32 s10, v0;
	v20 =	vadd.s32 s9, v0;
	v23 =	vld.idx.msk [tilespmem:v15+s19+$0x0], $0xffff  }
0x141: {  	s13 =	sadd.s32 $0x4, s9;
	v24 =	vadd.s32 s11, v0;
	v8 =	vadd.s32 v1, v8;
	s10 =	sadd.s32 $0x3, s9;
	v26 =	vadd.s32 s12, v0;
	v15 =	vld.idx.msk [tilespmem:v15+s23+$0x0], $0xffff  }
0x142: {  	v7 =	vshll.u32 v7, $0x7;
	s11 =	sadd.s32 $0x1, s9;
	v28 =	vadd.s32 s13, v0;
	v27 =	vadd.s32 s10, v0;
	s12 =	sadd.s32 $0x2, s9;
	v29 =	vld.idx.msk [tilespmem:v12+s19+$0x0], $0xffff  }
0x143: {  	v31 =	vadd.s32 v1, v7;
	v10 =	vadd.s32 s11, v0;
	v30 =	vadd.s32 s12, v0;
	v12 =	vld.idx.msk [tilespmem:v12+s23+$0x0], $0xffff  }
0x144: {  	v20 =	vand.u32 $0x3F, v20;
	v7 =	vmul.f32 v9, v18;
	v18 =	vshll.u32 v6, $0x7;
	v9 =	vld.idx.msk [tilespmem:v11+s19+$0x0], $0xffff  }
0x145: {  	v21 =	vand.u32 $0x3F, v21;
	v6 =	vand.u32 $0x3F, v26;
	v32 =	vadd.s32 v1, v18;
	v26 =	vld.idx.msk [tilespmem:v11+s23+$0x0], $0xffff  }
0x146: {  	v18 =	vshll.u32 v5, $0x7;
	v5 =	vmovc v21;
	v11 =	vmul.f32 v7, v17;
	v14 =	vmul.f32 v14, v23;
	v17 =	vld.idx.msk [tilespmem:v8+s19+$0x0], $0xffff  }
0x147: {  	v23 =	vor.u32 v2, v20;
	v7 =	vand.u32 $0x3F, v24;
	v33 =	vadd.s32 v1, v18;
	v24 =	vld.idx.msk [tilespmem:v8+s23+$0x0], $0xffff  }
0x148: {  	v13 =	vadd.f32 v11, v13;
	v15 =	vmul.f32 v14, v15;
	v19 =	vmul.f32 v19, v29;
	v29 =	vld.idx.msk [tilespmem:v31+s19+$0x0], $0xffff  }
0x149: {  	v18 =	vor.u32 v2, v5;
	v11 =	vand.u32 $0x3F, v27;
	v8 =	vand.u32 $0x3F, v28;
	v14 =	vld.idx.msk [tilespmem:v31+s23+$0x0], $0xffff  }
.Ltmp4:
0x14a: {  	v27 =	vadd.f32 v15, v13;
	v28 =	vmul.f32 v19, v12;
	v9 =	vmul.f32 v16, v9;
	v15 =	vld.idx.msk [tilespmem:v32+s19+$0x0], $0xffff;
	(pc) =	sbr.rel @p1 .LBB2_11-.Ltmp4, $4  }
0x14b: {  	v21 =	vor.u32 v2, v6;
	v12 =	vand.u32 $0x3F, v30;
	v19 =	vor.u32 v2, v7;
	v13 =	vld.idx.msk [tilespmem:v32+s23+$0x0], $0xffff  }
0x14c: {  	v27 =	vadd.f32 v28, v27;
	v28 =	vmul.f32 v9, v26;
	v17 =	vmul.f32 v22, v17;
	v16 =	vld.idx.msk [tilespmem:v33+s19+$0x0], $0xffff  }
0x14d: {  	v26 =	vshll.u32 v20, $0x7;
	v20 =	vor.u32 v2, v11;
	v22 =	vor.u32 v2, v8;
	v9 =	vld.idx.msk [tilespmem:v23+s20+$0x0], $0xffff  }
0x14e: {  	s9 =	sadd.s32 $0x8, s9;
	v23 =	vadd.f32 v28, v27;
	v24 =	vmul.f32 v17, v24;
	v25 =	vmul.f32 v25, v29;
	v17 =	vld.idx.msk [tilespmem:v33+s23+$0x0], $0xffff  }
0x14f: {  	_ =	sdelay $0x3  }
0x150: {  	v27 =	vor.u32 v2, v12;
	v18 =	vld.idx.msk [tilespmem:v18+s20+$0x0], $0xffff  }
0x151: {  	v26 =	vadd.s32 v1, v26;
	v21 =	vld.idx.msk [tilespmem:v21+s20+$0x0], $0xffff  }
0x152: {  	v10 =	vand.u32 $0x3F, v10;
	v19 =	vld.idx.msk [tilespmem:v19+s20+$0x0], $0xffff  }
0x153: {  	v22 =	vld.idx.msk [tilespmem:v22+s20+$0x0], $0xffff;
	v2 =	vor.u32 v2, v10;
	v10 =	vshll.u32 v10, $0x7  }
0x154: {  	v20 =	vld.idx.msk [tilespmem:v20+s20+$0x0], $0xffff;
	v48 =	vshll.u32 v12, $0x7;
	v10 =	vadd.s32 v1, v10  }
0x155: {  	v12 =	vadd.s32 v1, v48;
	v27 =	vld.idx.msk [tilespmem:v27+s20+$0x0], $0xffff  }
0x156: {  	v49 =	vld.idx.msk [tilespmem:v26+s23+$0x0], $0xffff  }
0x157: {  	v3 =	vmul.f32 v3, v15;
	v11 =	vshll.u32 v11, $0x7;
	v8 =	vshll.u32 v8, $0x7;
	v50 =	vld.idx.msk [tilespmem:v26+s19+$0x0], $0xffff  }
0x158: {  	v23 =	vadd.f32 v24, v23;
	v14 =	vmul.f32 v25, v14;
	v11 =	vadd.s32 v1, v11;
	v2 =	vld.idx.msk [tilespmem:v2+s20+$0x0], $0xffff  }
0x159: {  	v7 =	vshll.u32 v7, $0x7;
	v8 =	vadd.s32 v1, v8;
	v51 =	vld.idx.msk [tilespmem:v10+s19+$0x0], $0xffff  }
0x15a: {  	v3 =	vmul.f32 v3, v13;
	v4 =	vmul.f32 v4, v16;
	v14 =	vadd.f32 v14, v23;
	v52 =	vld.idx.msk [tilespmem:v12+s19+$0x0], $0xffff  }
0x15b: {  	v6 =	vshll.u32 v6, $0x7;
	v7 =	vadd.s32 v1, v7;
	v10 =	vld.idx.msk [tilespmem:v10+s23+$0x0], $0xffff  }
0x15c: {  	v4 =	vmul.f32 v4, v17;
	v3 =	vadd.f32 v3, v14;
	v12 =	vld.idx.msk [tilespmem:v12+s23+$0x0], $0xffff;
	v9 =	vmul.f32 v9, v50  }
0x15d: {  	v5 =	vshll.u32 v5, $0x7;
	v6 =	vadd.s32 v1, v6;
	v53 =	vld.idx.msk [tilespmem:v11+s19+$0x0], $0xffff  }
0x15e: {  	v11 =	vld.idx.msk [tilespmem:v11+s23+$0x0], $0xffff;
	v3 =	vadd.f32 v4, v3;
	v9 =	vmul.f32 v9, v49;
	v2 =	vmul.f32 v2, v51  }
0x15f: {  	v1 =	vadd.s32 v1, v5;
	v54 =	vld.idx.msk [tilespmem:v8+s19+$0x0], $0xffff  }
0x160: {  	v55 =	vld.idx.msk [tilespmem:v8+s23+$0x0], $0xffff;
	v56 =	vmul.f32 v27, v52;
	v3 =	vadd.f32 v9, v3;
	v2 =	vmul.f32 v2, v10  }
0x161: {  	v57 =	vld.idx.msk [tilespmem:v7+s19+$0x0], $0xffff  }
0x162: {  	v7 =	vld.idx.msk [tilespmem:v7+s23+$0x0], $0xffff;
	v4 =	vmul.f32 v20, v53;
	v2 =	vadd.f32 v2, v3;
	v3 =	vmul.f32 v56, v12  }
0x163: {  	v58 =	vld.idx.msk [tilespmem:v6+s19+$0x0], $0xffff  }
0x164: {  	v6 =	vld.idx.msk [tilespmem:v6+s23+$0x0], $0xffff;
	v59 =	vmul.f32 v22, v54;
	v2 =	vadd.f32 v3, v2;
	v3 =	vmul.f32 v4, v11  }
0x165: {  	v60 =	vld.idx.msk [tilespmem:v1+s19+$0x0], $0xffff  }
0x166: {  	v61 =	vmul.f32 v19, v57;
	v2 =	vadd.f32 v3, v2;
	v3 =	vmul.f32 v59, v55  }
0x167: {  	v1 =	vld.idx.msk [tilespmem:v1+s23+$0x0], $0xffff  }
0x168: {  	v62 =	vmul.f32 v21, v58;
	v2 =	vadd.f32 v3, v2;
	v3 =	vmul.f32 v61, v7;
	_ =	sdelay $0x1  }
0x169: {  	s7 =	sadd.s32 $0x1, s7;
	v63 =	vmul.f32 v18, v60;
	v2 =	vadd.f32 v3, v2;
	v3 =	vmul.f32 v62, v6  }
0x16a: {  	p1 =	sne.s32 s7, $0x8  }
.Ltmp5:
0x16b: {  	v1 =	vmul.f32 v63, v1;
	v2 =	vadd.f32 v3, v2;
	(pc) =	sbr.rel @p1 .LBB2_10-.Ltmp5, $3  }
0x16c: {  	_ = 	snop  }
0x16d: {  	v1 =	vadd.f32 v1, v2;
	_ =	sdelay $0x1  }
0x16e: {  	[tilespmem:s8+$0x10200] =	vst v1  }
0x16f: {  	_ =	swait.ge [sflag:s0], $0x4000  }
0x170: {  	[sflag:s0] =	ssyncset.done $0x0  }
0x171: {  	[sflag:s0] =	ssyncadd.s32 $0xFFFFC000  }
0x172: {  	_ =	swait.ge [sflag:s3], $0x2000  }
0x173: {  	[sflag:s3] =	ssyncset.done $0x0  }
0x174: {  	[sflag:s3] =	ssyncadd.s32 $0xFFFFE000  }
0x175: {  	_ =	swait.ge [sflag:s4], $0x2000  }
0x176: {  	[sflag:s4] =	ssyncset.done $0x0  }
0x177: {  	s6 =	simm.s32 $0x0;
	s7 =	simm.s32 $0x0;
	[sflag:s4] =	ssyncadd.s32 $0xFFFFE000  }
.LBB2_14:
0x178: {  	s8 =	sshll.u32 s7, $0x4  }
0x179: {  	s9 =	simm.s32 $0x7;
	v3 =	vadd.s32 s6, v0;
	v1 =	vor.u32 s8, v0  }
0x17a: {  	s10 =	simm.s32 $0x6;
	v4 =	vadd.s32 s9, v0;
	v3 =	vand.u32 $0x3F, v3;
	v2 =	vshll.u32 v1, $0x7  }
0x17b: {  	s13 =	simm.s32 $0x5;
	v5 =	vadd.s32 s10, v0;
	v7 =	vand.u32 $0x3F, v4;
	v4 =	vor.u32 v2, v3  }
0x17c: {  	s11 =	simm.s32 $0x4;
	v6 =	vadd.s32 s13, v0;
	v5 =	vand.u32 $0x3F, v5;
	v8 =	vor.u32 v2, v7  }
0x17d: {  	s12 =	simm.s32 $0x3;
	v9 =	vadd.s32 s11, v0;
	v6 =	vand.u32 $0x3F, v6;
	v10 =	vor.u32 v2, v5  }
0x17e: {  	s13 =	simm.s32 $0x2;
	v11 =	vadd.s32 s12, v0;
	v9 =	vand.u32 $0x3F, v9;
	v12 =	vor.u32 v2, v6  }
0x17f: {  	v13 =	vadd.s32 s13, v0;
	v11 =	vand.u32 $0x3F, v11;
	v14 =	vor.u32 v2, v9  }
0x180: {  	v13 =	vand.u32 $0x3F, v13;
	v16 =	vor.u32 v2, v11;
	v15 =	vld.idx.msk [tilespmem:v4+s29+$0x0], $0xffff  }
0x181: {  	v3 =	vshll.u32 v3, $0x7;
	v17 =	vor.u32 v2, v13;
	v4 =	vld.idx.msk [tilespmem:v8+s29+$0x0], $0xffff  }
0x182: {  	s10 =	simm.s32 $0x1;
	v18 =	vadd.s32 v1, v3;
	v3 =	vld.idx.msk [tilespmem:v10+s29+$0x0], $0xffff  }
0x183: {  	v6 =	vshll.u32 v6, $0x7;
	v8 =	vadd.s32 s10, v0;
	v25 =	vld.idx.msk [tilespmem:v12+s29+$0x0], $0xffff  }
0x184: {  	v31 =	vadd.s32 v1, v6;
	v20 =	vld.idx.msk [tilespmem:v14+s29+$0x0], $0xffff;
	v8 =	vand.u32 $0x3F, v8  }
0x185: {  	v12 =	vld.idx.msk [tilespmem:v16+s29+$0x0], $0xffff;
	v10 =	vshll.u32 v8, $0x7;
	v8 =	vor.u32 v2, v8  }
0x186: {  	v13 =	vshll.u32 v13, $0x7;
	v14 =	vld.idx.msk [tilespmem:v17+s29+$0x0], $0xffff;
	v10 =	vadd.s32 v1, v10  }
0x187: {  	v13 =	vadd.s32 v1, v13;
	v16 =	vld.idx.msk [tilespmem:v18+s31+$0x0], $0xffff  }
0x188: {  	v11 =	vshll.u32 v11, $0x7;
	v17 =	vld.idx.msk [tilespmem:v18+s30+$0x0], $0xffff  }
0x189: {  	s11 =	simm.s32 $0x8;
	s12 =	simm.s32 $0xF;
	v11 =	vadd.s32 v1, v11;
	v63 =	vld.idx.msk [tilespmem:v31+s30+$0x0], $0xffff  }
0x18a: {  	v19 =	vadd.s32 s11, v0;
	s13 =	simm.s32 $0xD;
	s11 =	simm.s32 $0xE;
	v21 =	vadd.s32 s12, v0;
	v8 =	vld.idx.msk [tilespmem:v8+s29+$0x0], $0xffff  }
0x18b: {  	s12 =	simm.s32 $0xC;
	v9 =	vshll.u32 v9, $0x7;
	v23 =	vadd.s32 s13, v0;
	v24 =	vadd.s32 s11, v0;
	v22 =	vld.idx.msk [tilespmem:v10+s30+$0x0], $0xffff  }
0x18c: {  	s13 =	simm.s32 $0xA;
	v28 =	vadd.s32 s12, v0;
	v32 =	vand.u32 $0x3F, v19;
	v9 =	vadd.s32 v1, v9;
	v29 =	vld.idx.msk [tilespmem:v13+s30+$0x0], $0xffff  }
0x18d: {  	v19 =	vshll.u32 v5, $0x7;
	v5 =	vand.u32 $0x3F, v21;
	v30 =	vadd.s32 s13, v0;
	v26 =	vld.idx.msk [tilespmem:v10+s31+$0x0], $0xffff  }
0x18e: {  	v6 =	vand.u32 $0x3F, v24;
	v33 =	vadd.s32 v1, v19;
	s10 =	simm.s32 $0xB;
	v15 =	vmul.f32 v15, v17;
	v17 =	vld.idx.msk [tilespmem:v11+s30+$0x0], $0xffff  }
0x18f: {  	v21 =	vor.u32 v2, v6;
	v18 =	vimm.f32 $0.0e+00;
	v27 =	vadd.s32 s10, v0;
	v13 =	vld.idx.msk [tilespmem:v13+s31+$0x0], $0xffff  }
0x190: {  	v24 =	vld.idx.msk [tilespmem:v11+s31+$0x0], $0xffff;
	v11 =	vmul.f32 v15, v16;
	v15 =	vshll.u32 v7, $0x7;
	v8 =	vmul.f32 v8, v22  }
0x191: {  	v25 =	vmul.f32 v25, v63;
	v19 =	vmul.f32 v14, v29;
	v16 =	vld.idx.msk [tilespmem:v9+s30+$0x0], $0xffff;
	v35 =	vadd.s32 v1, v15  }
0x192: {  	s11 =	simm.s32 $0x9;
	v34 =	vld.idx.msk [tilespmem:v9+s31+$0x0], $0xffff;
	v9 =	vadd.f32 v11, v18;
	v22 =	vor.u32 v2, v32;
	v15 =	vmul.f32 v8, v26  }
0x193: {  	v14 =	vld.idx.msk [tilespmem:v31+s31+$0x0], $0xffff;
	v10 =	vadd.s32 s11, v0;
	v7 =	vand.u32 $0x3F, v23;
	v17 =	vmul.f32 v12, v17  }
0x194: {  	v23 =	vmul.f32 v19, v13;
	v13 =	vld.idx.msk [tilespmem:v33+s31+$0x0], $0xffff;
	v18 =	vor.u32 v2, v5;
	v9 =	vadd.f32 v15, v9  }
0x195: {  	v19 =	vor.u32 v2, v7;
	v11 =	vand.u32 $0x3F, v27;
	v17 =	vmul.f32 v17, v24;
	v15 =	vld.idx.msk [tilespmem:v33+s30+$0x0], $0xffff  }
0x196: {  	v24 =	vmul.f32 v20, v16;
	v16 =	vld.idx.msk [tilespmem:v35+s30+$0x0], $0xffff;
	v8 =	vand.u32 $0x3F, v28;
	v23 =	vadd.f32 v23, v9  }
0x197: {  	v12 =	vand.u32 $0x3F, v30;
	v20 =	vor.u32 v2, v11;
	v9 =	vld.idx.msk [tilespmem:v22+s29+$0x0], $0xffff;
	v22 =	vor.u32 v2, v8  }
0x198: {  	s9 =	simm.s32 $0x10;
	v26 =	vshll.u32 v32, $0x7;
	v24 =	vmul.f32 v24, v34;
	v23 =	vadd.f32 v17, v23;
	v17 =	vld.idx.msk [tilespmem:v35+s31+$0x0], $0xffff  }
.LBB2_15:
0x199: {  	p1 =	slt.u32 s9, $0x38;
	v26 =	vadd.s32 v1, v26;
	v10 =	vand.u32 $0x3F, v10;
	v27 =	vor.u32 v2, v12;
	v18 =	vld.idx.msk [tilespmem:v18+s29+$0x0], $0xffff  }
0x19a: {  	v15 =	vmul.f32 v3, v15;
	v23 =	vadd.f32 v24, v23;
	v14 =	vmul.f32 v25, v14;
	v3 =	vld.idx.msk [tilespmem:v21+s29+$0x0], $0xffff  }
0x19b: {  	v21 =	vshll.u32 v10, $0x7;
	v10 =	vor.u32 v2, v10;
	v25 =	vld.idx.msk [tilespmem:v19+s29+$0x0], $0xffff  }
0x19c: {  	v13 =	vmul.f32 v15, v13;
	v22 =	vld.idx.msk [tilespmem:v22+s29+$0x0], $0xffff;
	v14 =	vadd.f32 v14, v23;
	v23 =	vmul.f32 v4, v16  }
0x19d: {  	v15 =	vadd.s32 v1, v21;
	v16 =	vld.idx.msk [tilespmem:v20+s29+$0x0], $0xffff  }
0x19e: {  	v12 =	vshll.u32 v12, $0x7;
	v19 =	vld.idx.msk [tilespmem:v27+s29+$0x0], $0xffff;
	v13 =	vadd.f32 v13, v14;
	v14 =	vmul.f32 v23, v17  }
0x19f: {  	v12 =	vadd.s32 v1, v12;
	v4 =	vmov v18;
	v17 =	vld.idx.msk [tilespmem:v26+s31+$0x0], $0xffff  }
0x1a0: {  	v11 =	vshll.u32 v11, $0x7;
	v18 =	vld.idx.msk [tilespmem:v26+s30+$0x0], $0xffff;
	v13 =	vadd.f32 v14, v13  }
0x1a1: {  	s10 =	sadd.s32 $0x7, s9;
	v11 =	vadd.s32 v1, v11;
	v14 =	vld.idx.msk [tilespmem:v10+s29+$0x0], $0xffff  }
0x1a2: {  	s11 =	sadd.s32 $0x5, s9;
	s12 =	sadd.s32 $0x6, s9;
	v8 =	vshll.u32 v8, $0x7;
	v21 =	vadd.s32 s10, v0;
	v20 =	vadd.s32 s9, v0;
	v23 =	vld.idx.msk [tilespmem:v15+s30+$0x0], $0xffff  }
0x1a3: {  	s13 =	sadd.s32 $0x4, s9;
	v24 =	vadd.s32 s11, v0;
	v8 =	vadd.s32 v1, v8;
	s10 =	sadd.s32 $0x3, s9;
	v26 =	vadd.s32 s12, v0;
	v15 =	vld.idx.msk [tilespmem:v15+s31+$0x0], $0xffff  }
0x1a4: {  	v7 =	vshll.u32 v7, $0x7;
	s11 =	sadd.s32 $0x1, s9;
	v28 =	vadd.s32 s13, v0;
	v27 =	vadd.s32 s10, v0;
	s12 =	sadd.s32 $0x2, s9;
	v29 =	vld.idx.msk [tilespmem:v12+s30+$0x0], $0xffff  }
0x1a5: {  	v31 =	vadd.s32 v1, v7;
	v10 =	vadd.s32 s11, v0;
	v30 =	vadd.s32 s12, v0;
	v12 =	vld.idx.msk [tilespmem:v12+s31+$0x0], $0xffff  }
0x1a6: {  	v20 =	vand.u32 $0x3F, v20;
	v7 =	vmul.f32 v9, v18;
	v18 =	vshll.u32 v6, $0x7;
	v9 =	vld.idx.msk [tilespmem:v11+s30+$0x0], $0xffff  }
0x1a7: {  	v21 =	vand.u32 $0x3F, v21;
	v6 =	vand.u32 $0x3F, v26;
	v32 =	vadd.s32 v1, v18;
	v26 =	vld.idx.msk [tilespmem:v11+s31+$0x0], $0xffff  }
0x1a8: {  	v18 =	vshll.u32 v5, $0x7;
	v5 =	vmovc v21;
	v11 =	vmul.f32 v7, v17;
	v14 =	vmul.f32 v14, v23;
	v17 =	vld.idx.msk [tilespmem:v8+s30+$0x0], $0xffff  }
0x1a9: {  	v23 =	vor.u32 v2, v20;
	v7 =	vand.u32 $0x3F, v24;
	v33 =	vadd.s32 v1, v18;
	v24 =	vld.idx.msk [tilespmem:v8+s31+$0x0], $0xffff  }
0x1aa: {  	v13 =	vadd.f32 v11, v13;
	v15 =	vmul.f32 v14, v15;
	v19 =	vmul.f32 v19, v29;
	v29 =	vld.idx.msk [tilespmem:v31+s30+$0x0], $0xffff  }
0x1ab: {  	v18 =	vor.u32 v2, v5;
	v11 =	vand.u32 $0x3F, v27;
	v8 =	vand.u32 $0x3F, v28;
	v14 =	vld.idx.msk [tilespmem:v31+s31+$0x0], $0xffff  }
.Ltmp6:
0x1ac: {  	v27 =	vadd.f32 v15, v13;
	v28 =	vmul.f32 v19, v12;
	v9 =	vmul.f32 v16, v9;
	v15 =	vld.idx.msk [tilespmem:v32+s30+$0x0], $0xffff;
	(pc) =	sbr.rel @p1 .LBB2_15-.Ltmp6, $4  }
0x1ad: {  	v21 =	vor.u32 v2, v6;
	v12 =	vand.u32 $0x3F, v30;
	v19 =	vor.u32 v2, v7;
	v13 =	vld.idx.msk [tilespmem:v32+s31+$0x0], $0xffff  }
0x1ae: {  	v27 =	vadd.f32 v28, v27;
	v28 =	vmul.f32 v9, v26;
	v17 =	vmul.f32 v22, v17;
	v16 =	vld.idx.msk [tilespmem:v33+s30+$0x0], $0xffff  }
0x1af: {  	v26 =	vshll.u32 v20, $0x7;
	v20 =	vor.u32 v2, v11;
	v22 =	vor.u32 v2, v8;
	v9 =	vld.idx.msk [tilespmem:v23+s29+$0x0], $0xffff  }
0x1b0: {  	s9 =	sadd.s32 $0x8, s9;
	v23 =	vadd.f32 v28, v27;
	v24 =	vmul.f32 v17, v24;
	v25 =	vmul.f32 v25, v29;
	v17 =	vld.idx.msk [tilespmem:v33+s31+$0x0], $0xffff  }
0x1b1: {  	_ =	sdelay $0x3  }
0x1b2: {  	v27 =	vor.u32 v2, v12;
	v18 =	vld.idx.msk [tilespmem:v18+s29+$0x0], $0xffff  }
0x1b3: {  	v26 =	vadd.s32 v1, v26;
	v21 =	vld.idx.msk [tilespmem:v21+s29+$0x0], $0xffff  }
0x1b4: {  	v10 =	vand.u32 $0x3F, v10;
	v19 =	vld.idx.msk [tilespmem:v19+s29+$0x0], $0xffff  }
0x1b5: {  	v22 =	vld.idx.msk [tilespmem:v22+s29+$0x0], $0xffff;
	v2 =	vor.u32 v2, v10;
	v10 =	vshll.u32 v10, $0x7  }
0x1b6: {  	v20 =	vld.idx.msk [tilespmem:v20+s29+$0x0], $0xffff;
	v48 =	vshll.u32 v12, $0x7;
	v10 =	vadd.s32 v1, v10  }
0x1b7: {  	v12 =	vadd.s32 v1, v48;
	v27 =	vld.idx.msk [tilespmem:v27+s29+$0x0], $0xffff  }
0x1b8: {  	v49 =	vld.idx.msk [tilespmem:v26+s31+$0x0], $0xffff  }
0x1b9: {  	v3 =	vmul.f32 v3, v15;
	v11 =	vshll.u32 v11, $0x7;
	v8 =	vshll.u32 v8, $0x7;
	v50 =	vld.idx.msk [tilespmem:v26+s30+$0x0], $0xffff  }
0x1ba: {  	v23 =	vadd.f32 v24, v23;
	v14 =	vmul.f32 v25, v14;
	v11 =	vadd.s32 v1, v11;
	v2 =	vld.idx.msk [tilespmem:v2+s29+$0x0], $0xffff  }
0x1bb: {  	v7 =	vshll.u32 v7, $0x7;
	v8 =	vadd.s32 v1, v8;
	v51 =	vld.idx.msk [tilespmem:v10+s30+$0x0], $0xffff  }
0x1bc: {  	v3 =	vmul.f32 v3, v13;
	v4 =	vmul.f32 v4, v16;
	v14 =	vadd.f32 v14, v23;
	v52 =	vld.idx.msk [tilespmem:v12+s30+$0x0], $0xffff  }
0x1bd: {  	v6 =	vshll.u32 v6, $0x7;
	v7 =	vadd.s32 v1, v7;
	v10 =	vld.idx.msk [tilespmem:v10+s31+$0x0], $0xffff  }
0x1be: {  	v4 =	vmul.f32 v4, v17;
	v3 =	vadd.f32 v3, v14;
	v12 =	vld.idx.msk [tilespmem:v12+s31+$0x0], $0xffff;
	v9 =	vmul.f32 v9, v50  }
0x1bf: {  	v5 =	vshll.u32 v5, $0x7;
	v6 =	vadd.s32 v1, v6;
	v53 =	vld.idx.msk [tilespmem:v11+s30+$0x0], $0xffff  }
0x1c0: {  	v11 =	vld.idx.msk [tilespmem:v11+s31+$0x0], $0xffff;
	v3 =	vadd.f32 v4, v3;
	v9 =	vmul.f32 v9, v49;
	v2 =	vmul.f32 v2, v51  }
0x1c1: {  	v1 =	vadd.s32 v1, v5;
	v54 =	vld.idx.msk [tilespmem:v8+s30+$0x0], $0xffff  }
0x1c2: {  	v55 =	vld.idx.msk [tilespmem:v8+s31+$0x0], $0xffff;
	v56 =	vmul.f32 v27, v52;
	v3 =	vadd.f32 v9, v3;
	v2 =	vmul.f32 v2, v10  }
0x1c3: {  	v57 =	vld.idx.msk [tilespmem:v7+s30+$0x0], $0xffff  }
0x1c4: {  	v7 =	vld.idx.msk [tilespmem:v7+s31+$0x0], $0xffff;
	v4 =	vmul.f32 v20, v53;
	v2 =	vadd.f32 v2, v3;
	v3 =	vmul.f32 v56, v12  }
0x1c5: {  	v58 =	vld.idx.msk [tilespmem:v6+s30+$0x0], $0xffff  }
0x1c6: {  	v6 =	vld.idx.msk [tilespmem:v6+s31+$0x0], $0xffff;
	v59 =	vmul.f32 v22, v54;
	v2 =	vadd.f32 v3, v2;
	v3 =	vmul.f32 v4, v11  }
0x1c7: {  	v60 =	vld.idx.msk [tilespmem:v1+s30+$0x0], $0xffff  }
0x1c8: {  	v61 =	vmul.f32 v19, v57;
	v2 =	vadd.f32 v3, v2;
	v3 =	vmul.f32 v59, v55  }
0x1c9: {  	v1 =	vld.idx.msk [tilespmem:v1+s31+$0x0], $0xffff  }
0x1ca: {  	v62 =	vmul.f32 v21, v58;
	v2 =	vadd.f32 v3, v2;
	v3 =	vmul.f32 v61, v7;
	_ =	sdelay $0x1  }
0x1cb: {  	s7 =	sadd.s32 $0x1, s7;
	v63 =	vmul.f32 v18, v60;
	v2 =	vadd.f32 v3, v2;
	v3 =	vmul.f32 v62, v6  }
0x1cc: {  	p1 =	sne.s32 s7, $0x8  }
.Ltmp7:
0x1cd: {  	v1 =	vmul.f32 v63, v1;
	v2 =	vadd.f32 v3, v2;
	(pc) =	sbr.rel @p1 .LBB2_14-.Ltmp7, $3  }
0x1ce: {  	_ = 	snop  }
0x1cf: {  	v1 =	vadd.f32 v1, v2;
	_ =	sdelay $0x1  }
0x1d0: {  	[tilespmem:s8+$0x10280] =	vst v1  }
0x1d1: {  	s5 =	sadd.s32 $0x1, s5  }
0x1d2: {  	p1 =	sne.s32 s5, s17  }
.Ltmp8:
0x1d3: {  	s6 =	simm.s32 $0x10100;
	(pc) =	sbr.rel @p1 .LBB2_1-.Ltmp8, $4  }
0x1d4: {  	[hbm4b:s16+s2] =	stream.linear.scatter [tilespmem:s6], [sflag:$0x7], $0x200, $0x38;
	[tilespmem:$0x12240] =	vst v63  }
0x1d5: {  	_ =	swait.ge [sflag:s18], $0x200  }
0x1d6: {  	[sflag:s18] =	ssyncset.done $0x0  }
0x1d7: {  	[sflag:s18] =	ssyncadd.s32 $0xFFFFFE00  }
0x1d8: {  	_ =	sfence.sel $0x180000  }
0x1d9: {  	[bflag:$0x0] =	sbarrier.arrive $0xFFFF  }
0x1da: {  	_ =	strace $0x90000047  }
0x1db: {  	[bflag:$0x2] =	sbarrier.arrive $0xFFFF  }
0x1dc: {  	s0 =	rddreg [dreg:$0x6]  }
0x1dd: {  	s0 =	sadd.s32 @!p0 $0x100000, s0  }
0x1de: {  	[sflag:s0] =	ssyncadd.tile.s32 @!p0 $0x1;
	_ =	shalt  }
.Lfunc_end2:
_tile_overlayer_lowered:
.L_overlay_start_2:
0x1df: {  	(tag) =	ssettag $0x2  }
0x1e0: {  	s0 =	rddreg [dreg:$0x0];
	s2 =	stileid.u32  }
0x1e1: {  	s1 =	rddreg [dreg:$0x1];
	p0 =	sne.s32 s2, $0x0  }
0x1e2: {  	s3 =	rddreg [dreg:$0x2];
	[bflag:$0x3] =	sbarrier.arrive $0xFFFF;
	s2 =	simm.s32 @!p0 $0x1C07  }
0x1e3: {  	[timem:s3], [sflag:s2] =	dma.local @!p0 [hbm:s0], s1  }
0x1e4: {  	s0 =	simm.s32 @!p0 $0x7  }
0x1e5: {  	_ =	swait.ge @!p0 [sflag:s0], s1  }
0x1e6: {  	s1 =	ssub.s32 @!p0 $0x0, s1;
	[sflag:s0] =	ssyncset.done @!p0 $0x0  }
0x1e7: {  	[sflag:s0] =	ssyncadd.s32 @!p0 s1  }
0x1e8: {  	[bflag:$0x3] =	sbarrier.arrive $0xFFFF  }
0x1e9: {  	_ =	shalt  }

</sc_bundles>
